<compile_context>
chip_gen: v7x
topology: tpu7x:2x2x1
jax: 0.10.2.dev20260603
libtpu: 0.0.44.dev20260713+nightly
codegen_flags: <defaults>
</compile_context>

<pallas_src>
import functools

import jax
import jax.numpy as jnp
from jax import lax
from jax.experimental import pallas as pl
from jax.experimental.pallas import tpu as pltpu
from jax.experimental.pallas import tpu_sc as plsc

N_NODES = 10000
N_EDGES = 320000
D = 128
EDGE_DIM = 16

NC = 2
NS = 16
NW = NC * NS

CHUNK = 40
N_CHUNKS = N_EDGES // CHUNK
TRIPS = N_CHUNKS // 32
NP = 10240
ROWS_PER_TILE = NP // NS
DW = 16
DT = D + DW

_f32 = jnp.float32


def _proj_body(h_ref, ef_ref, w1a_ref, w1b_ref, w1e_ref, b1m_ref,
               a_ref, b_ref, e_ref):
    hb = h_ref[...]
    a_ref[...] = jnp.dot(hb, w1a_ref[...], preferred_element_type=_f32)
    b_ref[...] = jnp.dot(hb, w1b_ref[...], preferred_element_type=_f32) + b1m_ref[...]
    e_ref[...] = jnp.dot(ef_ref[...], w1e_ref[...], preferred_element_type=_f32)


def _project(h, ef, w1a, w1b, w1e, b1m):
    grid = 50
    nb = N_NODES // grid
    eb = N_EDGES // grid
    full = lambda i: (0, 0)
    return pl.pallas_call(
        _proj_body,
        grid=(grid,),
        in_specs=[
            pl.BlockSpec((nb, D), lambda i: (i, 0)),
            pl.BlockSpec((eb, EDGE_DIM), lambda i: (i, 0)),
            pl.BlockSpec((D, D), full),
            pl.BlockSpec((D, D), full),
            pl.BlockSpec((EDGE_DIM, D), full),
            pl.BlockSpec((1, D), full),
        ],
        out_specs=[
            pl.BlockSpec((nb, D), lambda i: (i, 0)),
            pl.BlockSpec((nb, D), lambda i: (i, 0)),
            pl.BlockSpec((eb, D), lambda i: (i, 0)),
        ],
        out_shape=[
            jax.ShapeDtypeStruct((N_NODES, D), _f32),
            jax.ShapeDtypeStruct((N_NODES, D), _f32),
            jax.ShapeDtypeStruct((N_EDGES, D), _f32),
        ],
    )(h, ef, w1a, w1b, w1e, b1m)


def _edge_body(zh_hbm, a_hbm, b_hbm, e_hbm, src_hbm, dst_hbm,
               hp_out, dp_out,
               idx_s0, idx_d0, ga0, gb0, ge0,
               idx_s1, idx_d1, ga1, gb1, ge1,
               degloc, hacc,
               sa0, sb0, se0, sa1, sb1, se1):
    cid = lax.axis_index("c")
    sid = lax.axis_index("s")
    wid = cid * NS + sid

    idx_s = [idx_s0, idx_s1]
    idx_d = [idx_d0, idx_d1]
    ga = [ga0, ga1]
    gb = [gb0, gb1]
    ge = [ge0, ge1]
    sa = [sa0, sa1]
    sb = [sb0, sb1]
    se = [se0, se1]

    r0 = sid * ROWS_PER_TILE
    pltpu.sync_copy(zh_hbm, hacc.at[pl.ds(r0, ROWS_PER_TILE)])

    def _zero_deg(i, _):
        degloc[pl.ds(i * 16, 16)] = jnp.zeros((16,), _f32)
        return 0
    lax.fori_loop(0, NP // 16, _zero_deg, 0)

    plsc.subcore_barrier()

    ones16 = jnp.ones((16,), _f32)
    tail_mask = lax.iota(jnp.int32, 16) >= (2 * 16 - (CHUNK - 16))

    def _prefetch(t, k):
        base = (t * NW + wid) * CHUNK
        pltpu.sync_copy(src_hbm.at[pl.ds(base, CHUNK)], idx_s[k])
        pltpu.sync_copy(dst_hbm.at[pl.ds(base, CHUNK)], idx_d[k])
        pltpu.async_copy(a_hbm.at[idx_s[k]], ga[k], sa[k])
        pltpu.async_copy(b_hbm.at[idx_d[k]], gb[k], sb[k])
        pltpu.async_copy(e_hbm.at[pl.ds(base, CHUNK)], ge[k], se[k])

    def _process(t, k):
        pltpu.make_async_copy(a_hbm.at[idx_s[k]], ga[k], sa[k]).wait()
        pltpu.make_async_copy(b_hbm.at[idx_d[k]], gb[k], sb[k]).wait()
        pltpu.make_async_copy(e_hbm.at[pl.ds(0, CHUNK)], ge[k], se[k]).wait()

        def _row(r, _):
            for j in range(8):
                s = pl.ds(16 * j, 16)
                ga[k][r, s] = jnp.maximum(ga[k][r, s] + gb[k][r, s] + ge[k][r, s], 0.0)
            return 0
        lax.fori_loop(0, CHUNK, _row, 0)

        plsc.addupdate_scatter(degloc, [idx_d[k][pl.ds(0, 16)]], ones16)
        plsc.addupdate_scatter(degloc, [idx_d[k][pl.ds(16, 16)]], ones16)
        plsc.addupdate_scatter(
            degloc, [idx_d[k][pl.ds(CHUNK - 16, 16)]], ones16, mask=tail_mask)

        pltpu.sync_copy(ga[k], hacc.at[idx_d[k]], add=True)

    _prefetch(0, 0)

    def _pair(i, _):
        t0 = 2 * i
        _prefetch(t0 + 1, 1)
        _process(t0, 0)

        @pl.when(t0 + 2 < TRIPS)
        def _():
            _prefetch(t0 + 2, 0)
        _process(t0 + 1, 1)
        return 0
    lax.fori_loop(0, TRIPS // 2, _pair, 0)

    plsc.subcore_barrier()

    for j in range(ROWS_PER_TILE // CHUNK):
        rows = pl.ds(r0 + j * CHUNK, CHUNK)
        out_rows = pl.ds(cid * NP + r0 + j * CHUNK, CHUNK)
        pltpu.sync_copy(hacc.at[rows], ga0)
        pltpu.sync_copy(ga0, hp_out.at[out_rows])
    pltpu.sync_copy(degloc, dp_out.at[pl.ds(wid * NP, NP)])


@functools.partial(
    pl.kernel,
    out_type=(
        jax.ShapeDtypeStruct((NC * NP, D), _f32),
        jax.ShapeDtypeStruct((NW * NP,), _f32),
    ),
    mesh=plsc.VectorSubcoreMesh(core_axis_name="c", subcore_axis_name="s"),
    compiler_params=pltpu.CompilerParams(needs_layout_passes=False),
    scratch_types=[
        pltpu.VMEM((CHUNK,), jnp.int32),
        pltpu.VMEM((CHUNK,), jnp.int32),
        pltpu.VMEM((CHUNK, D), _f32),
        pltpu.VMEM((CHUNK, D), _f32),
        pltpu.VMEM((CHUNK, D), _f32),
        pltpu.VMEM((CHUNK,), jnp.int32),
        pltpu.VMEM((CHUNK,), jnp.int32),
        pltpu.VMEM((CHUNK, D), _f32),
        pltpu.VMEM((CHUNK, D), _f32),
        pltpu.VMEM((CHUNK, D), _f32),
        pltpu.VMEM((NP,), _f32),
        pltpu.VMEM_SHARED((NP, D), _f32),
        pltpu.SemaphoreType.DMA,
        pltpu.SemaphoreType.DMA,
        pltpu.SemaphoreType.DMA,
        pltpu.SemaphoreType.DMA,
        pltpu.SemaphoreType.DMA,
        pltpu.SemaphoreType.DMA,
    ],
)
def _edge_scatter(zh_hbm, a_hbm, b_hbm, e_hbm, src_hbm, dst_hbm,
                  hp_out, dp_out,
                  idx_s0, idx_d0, ga0, gb0, ge0,
                  idx_s1, idx_d1, ga1, gb1, ge1,
                  degloc, hacc,
                  sa0, sb0, se0, sa1, sb1, se1):
    _edge_body(zh_hbm, a_hbm, b_hbm, e_hbm, src_hbm, dst_hbm,
               hp_out, dp_out,
               idx_s0, idx_d0, ga0, gb0, ge0,
               idx_s1, idx_d1, ga1, gb1, ge1,
               degloc, hacc,
               sa0, sb0, se0, sa1, sb1, se1)


def _update_body(hp_ref, dp_ref, h_ref, w2m_ref, b2m_ref,
                 w1uh_ref, w1ua_ref, b1u_ref, w2u_ref, b2u_ref,
                 gamma_ref, beta_ref, o_ref):
    hs = hp_ref[0] + hp_ref[1]
    deg = jnp.sum(dp_ref[...], axis=0)[:, None]
    num = jnp.dot(hs, w2m_ref[...], preferred_element_type=_f32) + deg * b2m_ref[...]
    agg = num / jnp.maximum(deg, 1.0)
    u = jnp.dot(h_ref[...], w1uh_ref[...], preferred_element_type=_f32)
    u = u + jnp.dot(agg, w1ua_ref[...], preferred_element_type=_f32) + b1u_ref[...]
    u = jnp.maximum(u, 0.0)
    u = jnp.dot(u, w2u_ref[...], preferred_element_type=_f32) + b2u_ref[...]
    mu = jnp.mean(u, axis=1, keepdims=True)
    var = jnp.mean((u - mu) * (u - mu), axis=1, keepdims=True)
    o_ref[...] = (u - mu) * lax.rsqrt(var + 1e-5) * gamma_ref[...] + beta_ref[...]


def _update(hp, dp, h, w2m, b2m, w1uh, w1ua, b1u, w2u, b2u, gamma, beta):
    grid = 5
    nb = 2048
    full = lambda i: (0, 0)
    return pl.pallas_call(
        _update_body,
        grid=(grid,),
        in_specs=[
            pl.BlockSpec((NC, nb, D), lambda i: (0, i, 0)),
            pl.BlockSpec((NW, nb), lambda i: (0, i)),
            pl.BlockSpec((nb, D), lambda i: (i, 0)),
            pl.BlockSpec((D, D), full),
            pl.BlockSpec((1, D), full),
            pl.BlockSpec((D, D), full),
            pl.BlockSpec((D, D), full),
            pl.BlockSpec((1, D), full),
            pl.BlockSpec((D, D), full),
            pl.BlockSpec((1, D), full),
            pl.BlockSpec((1, D), full),
            pl.BlockSpec((1, D), full),
        ],
        out_specs=pl.BlockSpec((nb, D), lambda i: (i, 0)),
        out_shape=jax.ShapeDtypeStruct((N_NODES, D), _f32),
    )(hp, dp, h, w2m, b2m, w1uh, w1ua, b1u, w2u, b2u, gamma, beta)


def kernel(h, edge_index, edge_features, W1m, b1m, W2m, b2m,
           W1u, b1u, W2u, b2u, gamma, beta):
    w1a = W1m[:D]
    w1b = W1m[D:2 * D]
    w1e = W1m[2 * D:]
    src = edge_index[0]
    dst = edge_index[1]
    row = lambda v: v.reshape(1, D)

    a, b, e = _project(h, edge_features, w1a, w1b, w1e, row(b1m))
    zh = jnp.zeros((ROWS_PER_TILE, D), _f32)
    hp, dp = _edge_scatter(zh, a, b, e, src, dst)
    hp = hp.reshape(NC, NP, D)
    dp = dp.reshape(NW, NP)
    return _update(hp, dp, h, W2m, row(b2m), W1u[:D], W1u[D:], row(b1u),
                   W2u, row(b2u), row(gamma), row(beta))

# --- scband reference (transcript-rebuilt; emitter-appended) ---
"""Pipeline reference for scband-graph-conv-block-38199439130924 (READ-ONLY COPY).

The authoritative reference and input builder live on the scoring server;
editing this copy changes nothing except your own understanding.
"""

import jax, jax.numpy as jnp
import numpy as np

N_NODES = 10000
N_EDGES = 320000
HIDDEN = 128
EDGE_DIM = 16


def setup_inputs(seed: int = 0) -> dict:
    key = jax.random.key(seed)
    ks = jax.random.split(key, 16)
    h = jax.random.normal(ks[0], (N_NODES, HIDDEN), dtype=jnp.float32)
    edge_index = jax.random.randint(ks[1], (2, N_EDGES), 0, N_NODES, dtype=jnp.int64 if jax.config.jax_enable_x64 else jnp.int32).astype(jnp.int32)
    edge_features = jax.random.normal(ks[2], (N_EDGES, EDGE_DIM), dtype=jnp.float32)
    def lin(k, fan_in, fan_out):
        bound = 1.0 / np.sqrt(fan_in)
        kw, kb = jax.random.split(k)
        W = jax.random.uniform(kw, (fan_in, fan_out), minval=-bound, maxval=bound, dtype=jnp.float32)
        b = jax.random.uniform(kb, (fan_out,), minval=-bound, maxval=bound, dtype=jnp.float32)
        return W, b
    W1m, b1m = lin(ks[3], HIDDEN * 2 + EDGE_DIM, HIDDEN)
    W2m, b2m = lin(ks[4], HIDDEN, HIDDEN)
    W1u, b1u = lin(ks[5], HIDDEN * 2, HIDDEN)
    W2u, b2u = lin(ks[6], HIDDEN, HIDDEN)
    gamma = jnp.ones((HIDDEN,), dtype=jnp.float32)
    beta = jnp.zeros((HIDDEN,), dtype=jnp.float32)
    return {"h": h, "edge_index": edge_index, "edge_features": edge_features,
            "W1m": W1m, "b1m": b1m, "W2m": W2m, "b2m": b2m,
            "W1u": W1u, "b1u": b1u, "W2u": W2u, "b2u": b2u,
            "gamma": gamma, "beta": beta}


def _layer_norm(x, gamma, beta, eps=1e-5):
    mu = jnp.mean(x, axis=-1, keepdims=True)
    var = jnp.mean((x - mu) ** 2, axis=-1, keepdims=True)
    return (x - mu) / jnp.sqrt(var + eps) * gamma + beta


def reference(h, edge_index, edge_features, W1m, b1m, W2m, b2m, W1u, b1u, W2u, b2u, gamma, beta):
    src = edge_index[0]
    dst = edge_index[1]
    msg_input = jnp.concatenate([h[src], h[dst], edge_features], axis=-1)
    hid = jax.nn.relu(msg_input @ W1m + b1m)
    messages = hid @ W2m + b2m
    agg = jnp.zeros_like(h).at[dst].add(messages)
    degree = jnp.zeros((h.shape[0], 1), dtype=h.dtype).at[dst].add(jnp.ones((dst.shape[0], 1), dtype=h.dtype))
    agg = agg / jnp.clip(degree, 1.0, None)
    upd_in = jnp.concatenate([h, agg], axis=-1)
    updated = jax.nn.relu(upd_in @ W1u + b1u) @ W2u + b2u
    return _layer_norm(updated, gamma, beta)

if __name__ == "__main__":
    import jax
    _d = setup_inputs()
    print(jax.jit(kernel)(*tuple(_d.values())))

</pallas_src>

<mosaic_0001>
#map = affine_map<(d0, d1) -> (0, 0)>
#map1 = affine_map<(d0, d1) -> (0)>
module attributes {stable_mosaic.version = 14 : i64} {
  func.func @_edge_scatter(%arg0: i32, %arg1: i32, %arg2: memref<640x128xf32, #tpu.memory_space<hbm>>, %arg3: memref<10000x128xf32, #tpu.memory_space<hbm>>, %arg4: memref<10000x128xf32, #tpu.memory_space<hbm>>, %arg5: memref<320000x128xf32, #tpu.memory_space<hbm>>, %arg6: memref<320000xi32, #tpu.memory_space<hbm>>, %arg7: memref<320000xi32, #tpu.memory_space<hbm>>, %arg8: memref<20480x128xf32, #tpu.memory_space<hbm>>, %arg9: memref<327680xf32, #tpu.memory_space<hbm>>, %arg10: memref<40xi32, #tpu.memory_space<vmem>>, %arg11: memref<40xi32, #tpu.memory_space<vmem>>, %arg12: memref<40x128xf32, #tpu.memory_space<vmem>>, %arg13: memref<40x128xf32, #tpu.memory_space<vmem>>, %arg14: memref<40x128xf32, #tpu.memory_space<vmem>>, %arg15: memref<40xi32, #tpu.memory_space<vmem>>, %arg16: memref<40xi32, #tpu.memory_space<vmem>>, %arg17: memref<40x128xf32, #tpu.memory_space<vmem>>, %arg18: memref<40x128xf32, #tpu.memory_space<vmem>>, %arg19: memref<40x128xf32, #tpu.memory_space<vmem>>, %arg20: memref<10240xf32, #tpu.memory_space<vmem>>, %arg21: memref<10240x128xf32, #tpu.memory_space<vmem_shared>>, %arg22: memref<!tpu.dma_semaphore, #tpu.memory_space<semaphore_mem>>, %arg23: memref<!tpu.dma_semaphore, #tpu.memory_space<semaphore_mem>>, %arg24: memref<!tpu.dma_semaphore, #tpu.memory_space<semaphore_mem>>, %arg25: memref<!tpu.dma_semaphore, #tpu.memory_space<semaphore_mem>>, %arg26: memref<!tpu.dma_semaphore, #tpu.memory_space<semaphore_mem>>, %arg27: memref<!tpu.dma_semaphore, #tpu.memory_space<semaphore_mem>>) attributes {dimension_semantics = [#tpu.dimension_semantics<core_parallel>, #tpu.dimension_semantics<subcore_parallel>], iteration_bounds = array<i64: 2, 16>, scalar_prefetch = 0 : i64, scratch_operands = 18 : i64, tpu.core_type = #tpu.core_type<sc_vector_subcore>, window_params = [{transform_indices = #map}, {transform_indices = #map}, {transform_indices = #map}, {transform_indices = #map}, {transform_indices = #map1}, {transform_indices = #map1}, {transform_indices = #map}, {transform_indices = #map1}]} {
    %mul3A = arith.constant 16 : i32
    %mul3A_0 = arith.muli %arg0, %mul3A : i32
    %add3A = arith.addi %mul3A_0, %arg1 : i32
    %mul3A_1 = arith.constant 640 : i32
    %mul3A_2 = arith.muli %arg1, %mul3A_1 : i32
    "tpu.region"() ({
      %run_scoped3A = tpu.sem_alloc : memref<!tpu.dma_semaphore, #tpu.memory_space<semaphore_mem>>
      %dma_start3A_147 = arith.constant 0 : i32
      %dma_start3A_148 = tpu.memref_slice %arg21[%mul3A_2, %dma_start3A_147] : memref<10240x128xf32, #tpu.memory_space<vmem_shared>> -> memref<640x128xf32, #tpu.memory_space<vmem_shared>>
      tpu.enqueue_dma source(%arg2 : memref<640x128xf32, #tpu.memory_space<hbm>>) target(%dma_start3A_148 : memref<640x128xf32, #tpu.memory_space<vmem_shared>>) target_semaphore(%run_scoped3A : memref<!tpu.dma_semaphore, #tpu.memory_space<semaphore_mem>>)
      %dma_wait3A = arith.constant 0 : i32
      %dma_wait3A_149 = tpu.memref_slice %arg21[%mul3A_2, %dma_wait3A] : memref<10240x128xf32, #tpu.memory_space<vmem_shared>> -> memref<640x128xf32, #tpu.memory_space<vmem_shared>>
      tpu.wait_dma2 semaphore(%run_scoped3A : memref<!tpu.dma_semaphore, #tpu.memory_space<semaphore_mem>>) src(%arg2 : memref<640x128xf32, #tpu.memory_space<hbm>>) dst(%dma_wait3A_149 : memref<640x128xf32, #tpu.memory_space<vmem_shared>>)
      tpu.yield
    }) : () -> ()
    %scan3A = arith.constant 0 : i32
    %scan3A_3 = arith.constant 0 : i32
    %scan3A_4 = arith.constant 640 : i32
    %scan3A_5 = arith.addi %scan3A_3, %scan3A_4 : i32
    %scan3A_6 = arith.constant 1 : i32
    %scan3A_7 = scf.for %scan3A_147 = %scan3A_3 to %scan3A_5 step %scan3A_6 iter_args(%scan3A_148 = %scan3A) -> (i32)  : i32 {
      %broadcast_in_dim3A_149 = arith.constant 0.000000e+00 : f32
      %broadcast_in_dim3A_150 = vector.broadcast %broadcast_in_dim3A_149 : f32 to vector<16xf32>
      %mul3A_151 = arith.constant 16 : i32
      %mul3A_152 = arith.muli %scan3A_147, %mul3A_151 : i32
      %swap3A = arith.index_cast %mul3A_152 : i32 to index
      %swap3A_153 = tpu.vector_load %arg20[%swap3A] {strides = array<i32>} : memref<10240xf32, #tpu.memory_space<vmem>>, vector<16xf32>,
      tpu.vector_store %arg20[%swap3A], %broadcast_in_dim3A_150 {strides = array<i32>} : memref<10240xf32, #tpu.memory_space<vmem>>, vector<16xf32>,
      %scan3A_154 = arith.constant 0 : i32
      scf.yield %scan3A_154 : i32
    }
    %scan3A_8 = arith.constant 640 : i32
    %barrier3A = arith.constant 0 : index
    tpu.barrier barrier_id(%barrier3A)
    %broadcast_in_dim3A = arith.constant 1.000000e+00 : f32
    %broadcast_in_dim3A_9 = vector.broadcast %broadcast_in_dim3A : f32 to vector<16xf32>
    %iota3A = tpu.iota {dimensions = array<i32: 0>} : vector<16xi32>
    %ge3A = arith.constant 8 : i32
    %ge3A_10 = vector.broadcast %ge3A : i32 to vector<16xi32>
    %ge3A_11 = arith.cmpi sge, %iota3A, %ge3A_10 : vector<16xi32>
    %add3A_12 = arith.constant 0 : i32
    %add3A_13 = arith.addi %add3A_12, %add3A : i32
    %mul3A_14 = arith.constant 40 : i32
    %mul3A_15 = arith.muli %add3A_13, %mul3A_14 : i32
    "tpu.region"() ({
      %run_scoped3A = tpu.sem_alloc : memref<!tpu.dma_semaphore, #tpu.memory_space<semaphore_mem>>
      %dma_start3A_147 = tpu.memref_slice %arg6[%mul3A_15] : memref<320000xi32, #tpu.memory_space<hbm>> -> memref<40xi32, #tpu.memory_space<hbm>>
      %dma_start3A_148 = tpu.memref_slice %arg6[%mul3A_15] : memref<320000xi32, #tpu.memory_space<hbm>> -> memref<40xi32, #tpu.memory_space<hbm>>
      tpu.enqueue_dma source(%dma_start3A_148 : memref<40xi32, #tpu.memory_space<hbm>>) target(%arg10 : memref<40xi32, #tpu.memory_space<vmem>>) target_semaphore(%run_scoped3A : memref<!tpu.dma_semaphore, #tpu.memory_space<semaphore_mem>>)
      %dma_wait3A = tpu.memref_slice %arg6[%mul3A_15] : memref<320000xi32, #tpu.memory_space<hbm>> -> memref<40xi32, #tpu.memory_space<hbm>>
      %dma_wait3A_149 = tpu.memref_slice %arg6[%mul3A_15] : memref<320000xi32, #tpu.memory_space<hbm>> -> memref<40xi32, #tpu.memory_space<hbm>>
      tpu.wait_dma2 semaphore(%run_scoped3A : memref<!tpu.dma_semaphore, #tpu.memory_space<semaphore_mem>>) src(%dma_wait3A_149 : memref<40xi32, #tpu.memory_space<hbm>>) dst(%arg10 : memref<40xi32, #tpu.memory_space<vmem>>)
      tpu.yield
    }) : () -> ()
    "tpu.region"() ({
      %run_scoped3A = tpu.sem_alloc : memref<!tpu.dma_semaphore, #tpu.memory_space<semaphore_mem>>
      %dma_start3A_147 = tpu.memref_slice %arg7[%mul3A_15] : memref<320000xi32, #tpu.memory_space<hbm>> -> memref<40xi32, #tpu.memory_space<hbm>>
      %dma_start3A_148 = tpu.memref_slice %arg7[%mul3A_15] : memref<320000xi32, #tpu.memory_space<hbm>> -> memref<40xi32, #tpu.memory_space<hbm>>
      tpu.enqueue_dma source(%dma_start3A_148 : memref<40xi32, #tpu.memory_space<hbm>>) target(%arg11 : memref<40xi32, #tpu.memory_space<vmem>>) target_semaphore(%run_scoped3A : memref<!tpu.dma_semaphore, #tpu.memory_space<semaphore_mem>>)
      %dma_wait3A = tpu.memref_slice %arg7[%mul3A_15] : memref<320000xi32, #tpu.memory_space<hbm>> -> memref<40xi32, #tpu.memory_space<hbm>>
      %dma_wait3A_149 = tpu.memref_slice %arg7[%mul3A_15] : memref<320000xi32, #tpu.memory_space<hbm>> -> memref<40xi32, #tpu.memory_space<hbm>>
      tpu.wait_dma2 semaphore(%run_scoped3A : memref<!tpu.dma_semaphore, #tpu.memory_space<semaphore_mem>>) src(%dma_wait3A_149 : memref<40xi32, #tpu.memory_space<hbm>>) dst(%arg11 : memref<40xi32, #tpu.memory_space<vmem>>)
      tpu.yield
    }) : () -> ()
    %dma_start3A = arith.constant 0 : i32
    %dma_start3A_16 = arith.constant 0 : i32
    %dma_start3A_17 = tpu.memref_slice %arg3[%dma_start3A, %dma_start3A_16] : memref<10000x128xf32, #tpu.memory_space<hbm>> -> memref<10000x128xf32, #tpu.memory_space<hbm>>
    tpu.enqueue_indirect_dma source(%dma_start3A_17 : memref<10000x128xf32, #tpu.memory_space<hbm>>) target(%arg12 : memref<40x128xf32, #tpu.memory_space<vmem>>) offsets(%arg10 : memref<40xi32, #tpu.memory_space<vmem>>) semaphore(%arg22 : memref<!tpu.dma_semaphore, #tpu.memory_space<semaphore_mem>>)
    %dma_start3A_18 = arith.constant 0 : i32
    %dma_start3A_19 = arith.constant 0 : i32
    %dma_start3A_20 = tpu.memref_slice %arg4[%dma_start3A_18, %dma_start3A_19] : memref<10000x128xf32, #tpu.memory_space<hbm>> -> memref<10000x128xf32, #tpu.memory_space<hbm>>
    tpu.enqueue_indirect_dma source(%dma_start3A_20 : memref<10000x128xf32, #tpu.memory_space<hbm>>) target(%arg13 : memref<40x128xf32, #tpu.memory_space<vmem>>) offsets(%arg11 : memref<40xi32, #tpu.memory_space<vmem>>) semaphore(%arg23 : memref<!tpu.dma_semaphore, #tpu.memory_space<semaphore_mem>>)
    %dma_start3A_21 = arith.constant 0 : i32
    %dma_start3A_22 = tpu.memref_slice %arg5[%mul3A_15, %dma_start3A_21] : memref<320000x128xf32, #tpu.memory_space<hbm>> -> memref<40x128xf32, #tpu.memory_space<hbm>>
    %dma_start3A_23 = arith.constant 0 : i32
    %dma_start3A_24 = tpu.memref_slice %arg5[%mul3A_15, %dma_start3A_23] : memref<320000x128xf32, #tpu.memory_space<hbm>> -> memref<40x128xf32, #tpu.memory_space<hbm>>
    tpu.enqueue_dma source(%dma_start3A_24 : memref<40x128xf32, #tpu.memory_space<hbm>>) target(%arg14 : memref<40x128xf32, #tpu.memory_space<vmem>>) target_semaphore(%arg24 : memref<!tpu.dma_semaphore, #tpu.memory_space<semaphore_mem>>)
    %scan3A_25 = arith.constant 0 : i32
    %scan3A_26 = arith.constant 0 : i32
    %scan3A_27 = arith.constant 125 : i32
    %scan3A_28 = arith.addi %scan3A_26, %scan3A_27 : i32
    %scan3A_29 = arith.constant 1 : i32
    %scan3A_30 = scf.for %scan3A_147 = %scan3A_26 to %scan3A_28 step %scan3A_29 iter_args(%scan3A_148 = %scan3A_25) -> (i32)  : i32 {
      %mul3A_149 = arith.constant 2 : i32
      %mul3A_150 = arith.muli %mul3A_149, %scan3A_147 : i32
      %add3A_151 = arith.constant 1 : i32
      %add3A_152 = arith.addi %mul3A_150, %add3A_151 : i32
      %mul3A_153 = arith.constant 32 : i32
      %mul3A_154 = arith.muli %add3A_152, %mul3A_153 : i32
      %add3A_155 = arith.addi %mul3A_154, %add3A : i32
      %mul3A_156 = arith.constant 40 : i32
      %mul3A_157 = arith.muli %add3A_155, %mul3A_156 : i32
      "tpu.region"() ({
        %run_scoped3A = tpu.sem_alloc : memref<!tpu.dma_semaphore, #tpu.memory_space<semaphore_mem>>
        %dma_start3A_223 = tpu.memref_slice %arg6[%mul3A_157] : memref<320000xi32, #tpu.memory_space<hbm>> -> memref<40xi32, #tpu.memory_space<hbm>>
        %dma_start3A_224 = tpu.memref_slice %arg6[%mul3A_157] : memref<320000xi32, #tpu.memory_space<hbm>> -> memref<40xi32, #tpu.memory_space<hbm>>
        tpu.enqueue_dma source(%dma_start3A_224 : memref<40xi32, #tpu.memory_space<hbm>>) target(%arg15 : memref<40xi32, #tpu.memory_space<vmem>>) target_semaphore(%run_scoped3A : memref<!tpu.dma_semaphore, #tpu.memory_space<semaphore_mem>>)
        %dma_wait3A_225 = tpu.memref_slice %arg6[%mul3A_157] : memref<320000xi32, #tpu.memory_space<hbm>> -> memref<40xi32, #tpu.memory_space<hbm>>
        %dma_wait3A_226 = tpu.memref_slice %arg6[%mul3A_157] : memref<320000xi32, #tpu.memory_space<hbm>> -> memref<40xi32, #tpu.memory_space<hbm>>
        tpu.wait_dma2 semaphore(%run_scoped3A : memref<!tpu.dma_semaphore, #tpu.memory_space<semaphore_mem>>) src(%dma_wait3A_226 : memref<40xi32, #tpu.memory_space<hbm>>) dst(%arg15 : memref<40xi32, #tpu.memory_space<vmem>>)
        tpu.yield
      }) : () -> ()
      "tpu.region"() ({
        %run_scoped3A = tpu.sem_alloc : memref<!tpu.dma_semaphore, #tpu.memory_space<semaphore_mem>>
        %dma_start3A_223 = tpu.memref_slice %arg7[%mul3A_157] : memref<320000xi32, #tpu.memory_space<hbm>> -> memref<40xi32, #tpu.memory_space<hbm>>
        %dma_start3A_224 = tpu.memref_slice %arg7[%mul3A_157] : memref<320000xi32, #tpu.memory_space<hbm>> -> memref<40xi32, #tpu.memory_space<hbm>>
        tpu.enqueue_dma source(%dma_start3A_224 : memref<40xi32, #tpu.memory_space<hbm>>) target(%arg16 : memref<40xi32, #tpu.memory_space<vmem>>) target_semaphore(%run_scoped3A : memref<!tpu.dma_semaphore, #tpu.memory_space<semaphore_mem>>)
        %dma_wait3A_225 = tpu.memref_slice %arg7[%mul3A_157] : memref<320000xi32, #tpu.memory_space<hbm>> -> memref<40xi32, #tpu.memory_space<hbm>>
        %dma_wait3A_226 = tpu.memref_slice %arg7[%mul3A_157] : memref<320000xi32, #tpu.memory_space<hbm>> -> memref<40xi32, #tpu.memory_space<hbm>>
        tpu.wait_dma2 semaphore(%run_scoped3A : memref<!tpu.dma_semaphore, #tpu.memory_space<semaphore_mem>>) src(%dma_wait3A_226 : memref<40xi32, #tpu.memory_space<hbm>>) dst(%arg16 : memref<40xi32, #tpu.memory_space<vmem>>)
        tpu.yield
      }) : () -> ()
      %dma_start3A_158 = arith.constant 0 : i32
      %dma_start3A_159 = arith.constant 0 : i32
      %dma_start3A_160 = tpu.memref_slice %arg3[%dma_start3A_158, %dma_start3A_159] : memref<10000x128xf32, #tpu.memory_space<hbm>> -> memref<10000x128xf32, #tpu.memory_space<hbm>>
      tpu.enqueue_indirect_dma source(%dma_start3A_160 : memref<10000x128xf32, #tpu.memory_space<hbm>>) target(%arg17 : memref<40x128xf32, #tpu.memory_space<vmem>>) offsets(%arg15 : memref<40xi32, #tpu.memory_space<vmem>>) semaphore(%arg25 : memref<!tpu.dma_semaphore, #tpu.memory_space<semaphore_mem>>)
      %dma_start3A_161 = arith.constant 0 : i32
      %dma_start3A_162 = arith.constant 0 : i32
      %dma_start3A_163 = tpu.memref_slice %arg4[%dma_start3A_161, %dma_start3A_162] : memref<10000x128xf32, #tpu.memory_space<hbm>> -> memref<10000x128xf32, #tpu.memory_space<hbm>>
      tpu.enqueue_indirect_dma source(%dma_start3A_163 : memref<10000x128xf32, #tpu.memory_space<hbm>>) target(%arg18 : memref<40x128xf32, #tpu.memory_space<vmem>>) offsets(%arg16 : memref<40xi32, #tpu.memory_space<vmem>>) semaphore(%arg26 : memref<!tpu.dma_semaphore, #tpu.memory_space<semaphore_mem>>)
      %dma_start3A_164 = arith.constant 0 : i32
      %dma_start3A_165 = tpu.memref_slice %arg5[%mul3A_157, %dma_start3A_164] : memref<320000x128xf32, #tpu.memory_space<hbm>> -> memref<40x128xf32, #tpu.memory_space<hbm>>
      %dma_start3A_166 = arith.constant 0 : i32
      %dma_start3A_167 = tpu.memref_slice %arg5[%mul3A_157, %dma_start3A_166] : memref<320000x128xf32, #tpu.memory_space<hbm>> -> memref<40x128xf32, #tpu.memory_space<hbm>>
      tpu.enqueue_dma source(%dma_start3A_167 : memref<40x128xf32, #tpu.memory_space<hbm>>) target(%arg19 : memref<40x128xf32, #tpu.memory_space<vmem>>) target_semaphore(%arg27 : memref<!tpu.dma_semaphore, #tpu.memory_space<semaphore_mem>>)
      %dma_wait3A = arith.constant 0 : i32
      %dma_wait3A_168 = arith.constant 0 : i32
      %dma_wait3A_169 = tpu.memref_slice %arg3[%dma_wait3A, %dma_wait3A_168] : memref<10000x128xf32, #tpu.memory_space<hbm>> -> memref<10000x128xf32, #tpu.memory_space<hbm>>
      tpu.wait_indirect_dma semaphore(%arg22 : memref<!tpu.dma_semaphore, #tpu.memory_space<semaphore_mem>>) src(%dma_wait3A_169 : memref<10000x128xf32, #tpu.memory_space<hbm>>) dst(%arg12 : memref<40x128xf32, #tpu.memory_space<vmem>>)
      %dma_wait3A_170 = arith.constant 0 : i32
      %dma_wait3A_171 = arith.constant 0 : i32
      %dma_wait3A_172 = tpu.memref_slice %arg4[%dma_wait3A_170, %dma_wait3A_171] : memref<10000x128xf32, #tpu.memory_space<hbm>> -> memref<10000x128xf32, #tpu.memory_space<hbm>>
      tpu.wait_indirect_dma semaphore(%arg23 : memref<!tpu.dma_semaphore, #tpu.memory_space<semaphore_mem>>) src(%dma_wait3A_172 : memref<10000x128xf32, #tpu.memory_space<hbm>>) dst(%arg13 : memref<40x128xf32, #tpu.memory_space<vmem>>)
      %dma_wait3A_173 = arith.constant 0 : i32
      %dma_wait3A_174 = arith.constant 0 : i32
      %dma_wait3A_175 = tpu.memref_slice %arg5[%dma_wait3A_173, %dma_wait3A_174] : memref<320000x128xf32, #tpu.memory_space<hbm>> -> memref<40x128xf32, #tpu.memory_space<hbm>>
      %dma_wait3A_176 = arith.constant 0 : i32
      %dma_wait3A_177 = arith.constant 0 : i32
      %dma_wait3A_178 = tpu.memref_slice %arg5[%dma_wait3A_176, %dma_wait3A_177] : memref<320000x128xf32, #tpu.memory_space<hbm>> -> memref<40x128xf32, #tpu.memory_space<hbm>>
      tpu.wait_dma2 semaphore(%arg24 : memref<!tpu.dma_semaphore, #tpu.memory_space<semaphore_mem>>) src(%dma_wait3A_178 : memref<40x128xf32, #tpu.memory_space<hbm>>) dst(%arg14 : memref<40x128xf32, #tpu.memory_space<vmem>>)
      %scan3A_179 = arith.constant 0 : i32
      %scan3A_180 = arith.constant 0 : i32
      %scan3A_181 = arith.constant 40 : i32
      %scan3A_182 = arith.addi %scan3A_180, %scan3A_181 : i32
      %scan3A_183 = arith.constant 1 : i32
      %scan3A_184 = scf.for %scan3A_223 = %scan3A_180 to %scan3A_182 step %scan3A_183 iter_args(%scan3A_224 = %scan3A_179) -> (i32)  : i32 {
        %get3A_225 = arith.index_cast %scan3A_223 : i32 to index
        %get3A_226 = arith.constant 0 : index
        %get3A_227 = tpu.vector_load %arg12[%get3A_225, %get3A_226] {strides = array<i32>} : memref<40x128xf32, #tpu.memory_space<vmem>>, vector<16xf32>,
        %get3A_228 = arith.index_cast %scan3A_223 : i32 to index
        %get3A_229 = arith.constant 0 : index
        %get3A_230 = tpu.vector_load %arg13[%get3A_228, %get3A_229] {strides = array<i32>} : memref<40x128xf32, #tpu.memory_space<vmem>>, vector<16xf32>,
        %add3A_231 = arith.addf %get3A_227, %get3A_230 : vector<16xf32>
        %get3A_232 = arith.index_cast %scan3A_223 : i32 to index
        %get3A_233 = arith.constant 0 : index
        %get3A_234 = tpu.vector_load %arg14[%get3A_232, %get3A_233] {strides = array<i32>} : memref<40x128xf32, #tpu.memory_space<vmem>>, vector<16xf32>,
        %add3A_235 = arith.addf %add3A_231, %get3A_234 : vector<16xf32>
        %max3A = arith.constant 0.000000e+00 : f32
        %max3A_236 = vector.broadcast %max3A : f32 to vector<16xf32>
        %max3A_237 = arith.maximumf %add3A_235, %max3A_236 : vector<16xf32>
        %swap3A = arith.index_cast %scan3A_223 : i32 to index
        %swap3A_238 = arith.constant 0 : index
        %swap3A_239 = tpu.vector_load %arg12[%swap3A, %swap3A_238] {strides = array<i32>} : memref<40x128xf32, #tpu.memory_space<vmem>>, vector<16xf32>,
        tpu.vector_store %arg12[%swap3A, %swap3A_238], %max3A_237 {strides = array<i32>} : memref<40x128xf32, #tpu.memory_space<vmem>>, vector<16xf32>,
        %get3A_240 = arith.index_cast %scan3A_223 : i32 to index
        %get3A_241 = arith.constant 16 : index
        %get3A_242 = tpu.vector_load %arg12[%get3A_240, %get3A_241] {strides = array<i32>} : memref<40x128xf32, #tpu.memory_space<vmem>>, vector<16xf32>,
        %get3A_243 = arith.index_cast %scan3A_223 : i32 to index
        %get3A_244 = arith.constant 16 : index
        %get3A_245 = tpu.vector_load %arg13[%get3A_243, %get3A_244] {strides = array<i32>} : memref<40x128xf32, #tpu.memory_space<vmem>>, vector<16xf32>,
        %add3A_246 = arith.addf %get3A_242, %get3A_245 : vector<16xf32>
        %get3A_247 = arith.index_cast %scan3A_223 : i32 to index
        %get3A_248 = arith.constant 16 : index
        %get3A_249 = tpu.vector_load %arg14[%get3A_247, %get3A_248] {strides = array<i32>} : memref<40x128xf32, #tpu.memory_space<vmem>>, vector<16xf32>,
        %add3A_250 = arith.addf %add3A_246, %get3A_249 : vector<16xf32>
        %max3A_251 = arith.constant 0.000000e+00 : f32
        %max3A_252 = vector.broadcast %max3A_251 : f32 to vector<16xf32>
        %max3A_253 = arith.maximumf %add3A_250, %max3A_252 : vector<16xf32>
        %swap3A_254 = arith.index_cast %scan3A_223 : i32 to index
        %swap3A_255 = arith.constant 16 : index
        %swap3A_256 = tpu.vector_load %arg12[%swap3A_254, %swap3A_255] {strides = array<i32>} : memref<40x128xf32, #tpu.memory_space<vmem>>, vector<16xf32>,
        tpu.vector_store %arg12[%swap3A_254, %swap3A_255], %max3A_253 {strides = array<i32>} : memref<40x128xf32, #tpu.memory_space<vmem>>, vector<16xf32>,
        %get3A_257 = arith.index_cast %scan3A_223 : i32 to index
        %get3A_258 = arith.constant 32 : index
        %get3A_259 = tpu.vector_load %arg12[%get3A_257, %get3A_258] {strides = array<i32>} : memref<40x128xf32, #tpu.memory_space<vmem>>, vector<16xf32>,
        %get3A_260 = arith.index_cast %scan3A_223 : i32 to index
        %get3A_261 = arith.constant 32 : index
        %get3A_262 = tpu.vector_load %arg13[%get3A_260, %get3A_261] {strides = array<i32>} : memref<40x128xf32, #tpu.memory_space<vmem>>, vector<16xf32>,
        %add3A_263 = arith.addf %get3A_259, %get3A_262 : vector<16xf32>
        %get3A_264 = arith.index_cast %scan3A_223 : i32 to index
        %get3A_265 = arith.constant 32 : index
        %get3A_266 = tpu.vector_load %arg14[%get3A_264, %get3A_265] {strides = array<i32>} : memref<40x128xf32, #tpu.memory_space<vmem>>, vector<16xf32>,
        %add3A_267 = arith.addf %add3A_263, %get3A_266 : vector<16xf32>
        %max3A_268 = arith.constant 0.000000e+00 : f32
        %max3A_269 = vector.broadcast %max3A_268 : f32 to vector<16xf32>
        %max3A_270 = arith.maximumf %add3A_267, %max3A_269 : vector<16xf32>
        %swap3A_271 = arith.index_cast %scan3A_223 : i32 to index
        %swap3A_272 = arith.constant 32 : index
        %swap3A_273 = tpu.vector_load %arg12[%swap3A_271, %swap3A_272] {strides = array<i32>} : memref<40x128xf32, #tpu.memory_space<vmem>>, vector<16xf32>,
        tpu.vector_store %arg12[%swap3A_271, %swap3A_272], %max3A_270 {strides = array<i32>} : memref<40x128xf32, #tpu.memory_space<vmem>>, vector<16xf32>,
        %get3A_274 = arith.index_cast %scan3A_223 : i32 to index
        %get3A_275 = arith.constant 48 : index
        %get3A_276 = tpu.vector_load %arg12[%get3A_274, %get3A_275] {strides = array<i32>} : memref<40x128xf32, #tpu.memory_space<vmem>>, vector<16xf32>,
        %get3A_277 = arith.index_cast %scan3A_223 : i32 to index
        %get3A_278 = arith.constant 48 : index
        %get3A_279 = tpu.vector_load %arg13[%get3A_277, %get3A_278] {strides = array<i32>} : memref<40x128xf32, #tpu.memory_space<vmem>>, vector<16xf32>,
        %add3A_280 = arith.addf %get3A_276, %get3A_279 : vector<16xf32>
        %get3A_281 = arith.index_cast %scan3A_223 : i32 to index
        %get3A_282 = arith.constant 48 : index
        %get3A_283 = tpu.vector_load %arg14[%get3A_281, %get3A_282] {strides = array<i32>} : memref<40x128xf32, #tpu.memory_space<vmem>>, vector<16xf32>,
        %add3A_284 = arith.addf %add3A_280, %get3A_283 : vector<16xf32>
        %max3A_285 = arith.constant 0.000000e+00 : f32
        %max3A_286 = vector.broadcast %max3A_285 : f32 to vector<16xf32>
        %max3A_287 = arith.maximumf %add3A_284, %max3A_286 : vector<16xf32>
        %swap3A_288 = arith.index_cast %scan3A_223 : i32 to index
        %swap3A_289 = arith.constant 48 : index
        %swap3A_290 = tpu.vector_load %arg12[%swap3A_288, %swap3A_289] {strides = array<i32>} : memref<40x128xf32, #tpu.memory_space<vmem>>, vector<16xf32>,
        tpu.vector_store %arg12[%swap3A_288, %swap3A_289], %max3A_287 {strides = array<i32>} : memref<40x128xf32, #tpu.memory_space<vmem>>, vector<16xf32>,
        %get3A_291 = arith.index_cast %scan3A_223 : i32 to index
        %get3A_292 = arith.constant 64 : index
        %get3A_293 = tpu.vector_load %arg12[%get3A_291, %get3A_292] {strides = array<i32>} : memref<40x128xf32, #tpu.memory_space<vmem>>, vector<16xf32>,
        %get3A_294 = arith.index_cast %scan3A_223 : i32 to index
        %get3A_295 = arith.constant 64 : index
        %get3A_296 = tpu.vector_load %arg13[%get3A_294, %get3A_295] {strides = array<i32>} : memref<40x128xf32, #tpu.memory_space<vmem>>, vector<16xf32>,
        %add3A_297 = arith.addf %get3A_293, %get3A_296 : vector<16xf32>
        %get3A_298 = arith.index_cast %scan3A_223 : i32 to index
        %get3A_299 = arith.constant 64 : index
        %get3A_300 = tpu.vector_load %arg14[%get3A_298, %get3A_299] {strides = array<i32>} : memref<40x128xf32, #tpu.memory_space<vmem>>, vector<16xf32>,
        %add3A_301 = arith.addf %add3A_297, %get3A_300 : vector<16xf32>
        %max3A_302 = arith.constant 0.000000e+00 : f32
        %max3A_303 = vector.broadcast %max3A_302 : f32 to vector<16xf32>
        %max3A_304 = arith.maximumf %add3A_301, %max3A_303 : vector<16xf32>
        %swap3A_305 = arith.index_cast %scan3A_223 : i32 to index
        %swap3A_306 = arith.constant 64 : index
        %swap3A_307 = tpu.vector_load %arg12[%swap3A_305, %swap3A_306] {strides = array<i32>} : memref<40x128xf32, #tpu.memory_space<vmem>>, vector<16xf32>,
        tpu.vector_store %arg12[%swap3A_305, %swap3A_306], %max3A_304 {strides = array<i32>} : memref<40x128xf32, #tpu.memory_space<vmem>>, vector<16xf32>,
        %get3A_308 = arith.index_cast %scan3A_223 : i32 to index
        %get3A_309 = arith.constant 80 : index
        %get3A_310 = tpu.vector_load %arg12[%get3A_308, %get3A_309] {strides = array<i32>} : memref<40x128xf32, #tpu.memory_space<vmem>>, vector<16xf32>,
        %get3A_311 = arith.index_cast %scan3A_223 : i32 to index
        %get3A_312 = arith.constant 80 : index
        %get3A_313 = tpu.vector_load %arg13[%get3A_311, %get3A_312] {strides = array<i32>} : memref<40x128xf32, #tpu.memory_space<vmem>>, vector<16xf32>,
        %add3A_314 = arith.addf %get3A_310, %get3A_313 : vector<16xf32>
        %get3A_315 = arith.index_cast %scan3A_223 : i32 to index
        %get3A_316 = arith.constant 80 : index
        %get3A_317 = tpu.vector_load %arg14[%get3A_315, %get3A_316] {strides = array<i32>} : memref<40x128xf32, #tpu.memory_space<vmem>>, vector<16xf32>,
        %add3A_318 = arith.addf %add3A_314, %get3A_317 : vector<16xf32>
        %max3A_319 = arith.constant 0.000000e+00 : f32
        %max3A_320 = vector.broadcast %max3A_319 : f32 to vector<16xf32>
        %max3A_321 = arith.maximumf %add3A_318, %max3A_320 : vector<16xf32>
        %swap3A_322 = arith.index_cast %scan3A_223 : i32 to index
        %swap3A_323 = arith.constant 80 : index
        %swap3A_324 = tpu.vector_load %arg12[%swap3A_322, %swap3A_323] {strides = array<i32>} : memref<40x128xf32, #tpu.memory_space<vmem>>, vector<16xf32>,
        tpu.vector_store %arg12[%swap3A_322, %swap3A_323], %max3A_321 {strides = array<i32>} : memref<40x128xf32, #tpu.memory_space<vmem>>, vector<16xf32>,
        %get3A_325 = arith.index_cast %scan3A_223 : i32 to index
        %get3A_326 = arith.constant 96 : index
        %get3A_327 = tpu.vector_load %arg12[%get3A_325, %get3A_326] {strides = array<i32>} : memref<40x128xf32, #tpu.memory_space<vmem>>, vector<16xf32>,
        %get3A_328 = arith.index_cast %scan3A_223 : i32 to index
        %get3A_329 = arith.constant 96 : index
        %get3A_330 = tpu.vector_load %arg13[%get3A_328, %get3A_329] {strides = array<i32>} : memref<40x128xf32, #tpu.memory_space<vmem>>, vector<16xf32>,
        %add3A_331 = arith.addf %get3A_327, %get3A_330 : vector<16xf32>
        %get3A_332 = arith.index_cast %scan3A_223 : i32 to index
        %get3A_333 = arith.constant 96 : index
        %get3A_334 = tpu.vector_load %arg14[%get3A_332, %get3A_333] {strides = array<i32>} : memref<40x128xf32, #tpu.memory_space<vmem>>, vector<16xf32>,
        %add3A_335 = arith.addf %add3A_331, %get3A_334 : vector<16xf32>
        %max3A_336 = arith.constant 0.000000e+00 : f32
        %max3A_337 = vector.broadcast %max3A_336 : f32 to vector<16xf32>
        %max3A_338 = arith.maximumf %add3A_335, %max3A_337 : vector<16xf32>
        %swap3A_339 = arith.index_cast %scan3A_223 : i32 to index
        %swap3A_340 = arith.constant 96 : index
        %swap3A_341 = tpu.vector_load %arg12[%swap3A_339, %swap3A_340] {strides = array<i32>} : memref<40x128xf32, #tpu.memory_space<vmem>>, vector<16xf32>,
        tpu.vector_store %arg12[%swap3A_339, %swap3A_340], %max3A_338 {strides = array<i32>} : memref<40x128xf32, #tpu.memory_space<vmem>>, vector<16xf32>,
        %get3A_342 = arith.index_cast %scan3A_223 : i32 to index
        %get3A_343 = arith.constant 112 : index
        %get3A_344 = tpu.vector_load %arg12[%get3A_342, %get3A_343] {strides = array<i32>} : memref<40x128xf32, #tpu.memory_space<vmem>>, vector<16xf32>,
        %get3A_345 = arith.index_cast %scan3A_223 : i32 to index
        %get3A_346 = arith.constant 112 : index
        %get3A_347 = tpu.vector_load %arg13[%get3A_345, %get3A_346] {strides = array<i32>} : memref<40x128xf32, #tpu.memory_space<vmem>>, vector<16xf32>,
        %add3A_348 = arith.addf %get3A_344, %get3A_347 : vector<16xf32>
        %get3A_349 = arith.index_cast %scan3A_223 : i32 to index
        %get3A_350 = arith.constant 112 : index
        %get3A_351 = tpu.vector_load %arg14[%get3A_349, %get3A_350] {strides = array<i32>} : memref<40x128xf32, #tpu.memory_space<vmem>>, vector<16xf32>,
        %add3A_352 = arith.addf %add3A_348, %get3A_351 : vector<16xf32>
        %max3A_353 = arith.constant 0.000000e+00 : f32
        %max3A_354 = vector.broadcast %max3A_353 : f32 to vector<16xf32>
        %max3A_355 = arith.maximumf %add3A_352, %max3A_354 : vector<16xf32>
        %swap3A_356 = arith.index_cast %scan3A_223 : i32 to index
        %swap3A_357 = arith.constant 112 : index
        %swap3A_358 = tpu.vector_load %arg12[%swap3A_356, %swap3A_357] {strides = array<i32>} : memref<40x128xf32, #tpu.memory_space<vmem>>, vector<16xf32>,
        tpu.vector_store %arg12[%swap3A_356, %swap3A_357], %max3A_355 {strides = array<i32>} : memref<40x128xf32, #tpu.memory_space<vmem>>, vector<16xf32>,
        %scan3A_359 = arith.constant 0 : i32
        scf.yield %scan3A_359 : i32
      }
      %scan3A_185 = arith.constant 40 : i32
      %get3A = arith.constant 0 : index
      %get3A_186 = tpu.vector_load %arg11[%get3A] {strides = array<i32>} : memref<40xi32, #tpu.memory_space<vmem>>, vector<16xi32>,
      tpu.vector_store_idx %arg20[%get3A_186], %broadcast_in_dim3A_9 {add = true} : memref<10240xf32, #tpu.memory_space<vmem>>[vector<16xi32>], vector<16xf32>,
      %get3A_187 = arith.constant 16 : index
      %get3A_188 = tpu.vector_load %arg11[%get3A_187] {strides = array<i32>} : memref<40xi32, #tpu.memory_space<vmem>>, vector<16xi32>,
      tpu.vector_store_idx %arg20[%get3A_188], %broadcast_in_dim3A_9 {add = true} : memref<10240xf32, #tpu.memory_space<vmem>>[vector<16xi32>], vector<16xf32>,
      %get3A_189 = arith.constant 24 : index
      %get3A_190 = tpu.vector_load %arg11[%get3A_189] {strides = array<i32>} : memref<40xi32, #tpu.memory_space<vmem>>, vector<16xi32>,
      tpu.vector_store_idx %arg20[%get3A_190], %broadcast_in_dim3A_9 masked %ge3A_11 {add = true} : memref<10240xf32, #tpu.memory_space<vmem>>[vector<16xi32>], vector<16xf32>, vector<16xi1>
      "tpu.region"() ({
        %run_scoped3A = tpu.sem_alloc : memref<!tpu.dma_semaphore, #tpu.memory_space<semaphore_mem>>
        %dma_start3A_223 = arith.constant 0 : i32
        %dma_start3A_224 = arith.constant 0 : i32
        %dma_start3A_225 = tpu.memref_slice %arg21[%dma_start3A_223, %dma_start3A_224] : memref<10240x128xf32, #tpu.memory_space<vmem_shared>> -> memref<10240x128xf32, #tpu.memory_space<vmem_shared>>
        tpu.enqueue_indirect_dma source(%arg12 : memref<40x128xf32, #tpu.memory_space<vmem>>) target(%dma_start3A_225 : memref<10240x128xf32, #tpu.memory_space<vmem_shared>>) offsets(%arg11 : memref<40xi32, #tpu.memory_space<vmem>>) semaphore(%run_scoped3A : memref<!tpu.dma_semaphore, #tpu.memory_space<semaphore_mem>>) {add = true}
        %dma_wait3A_226 = arith.constant 0 : i32
        %dma_wait3A_227 = arith.constant 0 : i32
        %dma_wait3A_228 = tpu.memref_slice %arg21[%dma_wait3A_226, %dma_wait3A_227] : memref<10240x128xf32, #tpu.memory_space<vmem_shared>> -> memref<10240x128xf32, #tpu.memory_space<vmem_shared>>
        tpu.wait_indirect_dma semaphore(%run_scoped3A : memref<!tpu.dma_semaphore, #tpu.memory_space<semaphore_mem>>) src(%arg12 : memref<40x128xf32, #tpu.memory_space<vmem>>) dst(%dma_wait3A_228 : memref<10240x128xf32, #tpu.memory_space<vmem_shared>>)
        tpu.yield
      }) : () -> ()
      %add3A_191 = arith.constant 2 : i32
      %add3A_192 = arith.addi %mul3A_150, %add3A_191 : i32
      %lt3A = arith.constant 250 : i32
      %lt3A_193 = arith.cmpi slt, %add3A_192, %lt3A : i32
      %convert_element_type3A = arith.extui %lt3A_193 : i1 to i32
      %cond3A = arith.constant 0 : i32
      %cond3A_194 = arith.cmpi ne, %convert_element_type3A, %cond3A : i32
      scf.if %cond3A_194 {
        %add3A_223 = arith.constant 2 : i32
        %add3A_224 = arith.addi %mul3A_150, %add3A_223 : i32
        %mul3A_225 = arith.constant 32 : i32
        %mul3A_226 = arith.muli %add3A_224, %mul3A_225 : i32
        %add3A_227 = arith.addi %mul3A_226, %add3A : i32
        %mul3A_228 = arith.constant 40 : i32
        %mul3A_229 = arith.muli %add3A_227, %mul3A_228 : i32
        "tpu.region"() ({
          %run_scoped3A = tpu.sem_alloc : memref<!tpu.dma_semaphore, #tpu.memory_space<semaphore_mem>>
          %dma_start3A_240 = tpu.memref_slice %arg6[%mul3A_229] : memref<320000xi32, #tpu.memory_space<hbm>> -> memref<40xi32, #tpu.memory_space<hbm>>
          %dma_start3A_241 = tpu.memref_slice %arg6[%mul3A_229] : memref<320000xi32, #tpu.memory_space<hbm>> -> memref<40xi32, #tpu.memory_space<hbm>>
          tpu.enqueue_dma source(%dma_start3A_241 : memref<40xi32, #tpu.memory_space<hbm>>) target(%arg10 : memref<40xi32, #tpu.memory_space<vmem>>) target_semaphore(%run_scoped3A : memref<!tpu.dma_semaphore, #tpu.memory_space<semaphore_mem>>)
          %dma_wait3A_242 = tpu.memref_slice %arg6[%mul3A_229] : memref<320000xi32, #tpu.memory_space<hbm>> -> memref<40xi32, #tpu.memory_space<hbm>>
          %dma_wait3A_243 = tpu.memref_slice %arg6[%mul3A_229] : memref<320000xi32, #tpu.memory_space<hbm>> -> memref<40xi32, #tpu.memory_space<hbm>>
          tpu.wait_dma2 semaphore(%run_scoped3A : memref<!tpu.dma_semaphore, #tpu.memory_space<semaphore_mem>>) src(%dma_wait3A_243 : memref<40xi32, #tpu.memory_space<hbm>>) dst(%arg10 : memref<40xi32, #tpu.memory_space<vmem>>)
          tpu.yield
        }) : () -> ()
        "tpu.region"() ({
          %run_scoped3A = tpu.sem_alloc : memref<!tpu.dma_semaphore, #tpu.memory_space<semaphore_mem>>
          %dma_start3A_240 = tpu.memref_slice %arg7[%mul3A_229] : memref<320000xi32, #tpu.memory_space<hbm>> -> memref<40xi32, #tpu.memory_space<hbm>>
          %dma_start3A_241 = tpu.memref_slice %arg7[%mul3A_229] : memref<320000xi32, #tpu.memory_space<hbm>> -> memref<40xi32, #tpu.memory_space<hbm>>
          tpu.enqueue_dma source(%dma_start3A_241 : memref<40xi32, #tpu.memory_space<hbm>>) target(%arg11 : memref<40xi32, #tpu.memory_space<vmem>>) target_semaphore(%run_scoped3A : memref<!tpu.dma_semaphore, #tpu.memory_space<semaphore_mem>>)
          %dma_wait3A_242 = tpu.memref_slice %arg7[%mul3A_229] : memref<320000xi32, #tpu.memory_space<hbm>> -> memref<40xi32, #tpu.memory_space<hbm>>
          %dma_wait3A_243 = tpu.memref_slice %arg7[%mul3A_229] : memref<320000xi32, #tpu.memory_space<hbm>> -> memref<40xi32, #tpu.memory_space<hbm>>
          tpu.wait_dma2 semaphore(%run_scoped3A : memref<!tpu.dma_semaphore, #tpu.memory_space<semaphore_mem>>) src(%dma_wait3A_243 : memref<40xi32, #tpu.memory_space<hbm>>) dst(%arg11 : memref<40xi32, #tpu.memory_space<vmem>>)
          tpu.yield
        }) : () -> ()
        %dma_start3A_230 = arith.constant 0 : i32
        %dma_start3A_231 = arith.constant 0 : i32
        %dma_start3A_232 = tpu.memref_slice %arg3[%dma_start3A_230, %dma_start3A_231] : memref<10000x128xf32, #tpu.memory_space<hbm>> -> memref<10000x128xf32, #tpu.memory_space<hbm>>
        tpu.enqueue_indirect_dma source(%dma_start3A_232 : memref<10000x128xf32, #tpu.memory_space<hbm>>) target(%arg12 : memref<40x128xf32, #tpu.memory_space<vmem>>) offsets(%arg10 : memref<40xi32, #tpu.memory_space<vmem>>) semaphore(%arg22 : memref<!tpu.dma_semaphore, #tpu.memory_space<semaphore_mem>>)
        %dma_start3A_233 = arith.constant 0 : i32
        %dma_start3A_234 = arith.constant 0 : i32
        %dma_start3A_235 = tpu.memref_slice %arg4[%dma_start3A_233, %dma_start3A_234] : memref<10000x128xf32, #tpu.memory_space<hbm>> -> memref<10000x128xf32, #tpu.memory_space<hbm>>
        tpu.enqueue_indirect_dma source(%dma_start3A_235 : memref<10000x128xf32, #tpu.memory_space<hbm>>) target(%arg13 : memref<40x128xf32, #tpu.memory_space<vmem>>) offsets(%arg11 : memref<40xi32, #tpu.memory_space<vmem>>) semaphore(%arg23 : memref<!tpu.dma_semaphore, #tpu.memory_space<semaphore_mem>>)
        %dma_start3A_236 = arith.constant 0 : i32
        %dma_start3A_237 = tpu.memref_slice %arg5[%mul3A_229, %dma_start3A_236] : memref<320000x128xf32, #tpu.memory_space<hbm>> -> memref<40x128xf32, #tpu.memory_space<hbm>>
        %dma_start3A_238 = arith.constant 0 : i32
        %dma_start3A_239 = tpu.memref_slice %arg5[%mul3A_229, %dma_start3A_238] : memref<320000x128xf32, #tpu.memory_space<hbm>> -> memref<40x128xf32, #tpu.memory_space<hbm>>
        tpu.enqueue_dma source(%dma_start3A_239 : memref<40x128xf32, #tpu.memory_space<hbm>>) target(%arg14 : memref<40x128xf32, #tpu.memory_space<vmem>>) target_semaphore(%arg24 : memref<!tpu.dma_semaphore, #tpu.memory_space<semaphore_mem>>)
      } else {
      }
      %add3A_195 = arith.constant 1 : i32
      %add3A_196 = arith.addi %mul3A_150, %add3A_195 : i32
      %dma_wait3A_197 = arith.constant 0 : i32
      %dma_wait3A_198 = arith.constant 0 : i32
      %dma_wait3A_199 = tpu.memref_slice %arg3[%dma_wait3A_197, %dma_wait3A_198] : memref<10000x128xf32, #tpu.memory_space<hbm>> -> memref<10000x128xf32, #tpu.memory_space<hbm>>
      tpu.wait_indirect_dma semaphore(%arg25 : memref<!tpu.dma_semaphore, #tpu.memory_space<semaphore_mem>>) src(%dma_wait3A_199 : memref<10000x128xf32, #tpu.memory_space<hbm>>) dst(%arg17 : memref<40x128xf32, #tpu.memory_space<vmem>>)
      %dma_wait3A_200 = arith.constant 0 : i32
      %dma_wait3A_201 = arith.constant 0 : i32
      %dma_wait3A_202 = tpu.memref_slice %arg4[%dma_wait3A_200, %dma_wait3A_201] : memref<10000x128xf32, #tpu.memory_space<hbm>> -> memref<10000x128xf32, #tpu.memory_space<hbm>>
      tpu.wait_indirect_dma semaphore(%arg26 : memref<!tpu.dma_semaphore, #tpu.memory_space<semaphore_mem>>) src(%dma_wait3A_202 : memref<10000x128xf32, #tpu.memory_space<hbm>>) dst(%arg18 : memref<40x128xf32, #tpu.memory_space<vmem>>)
      %dma_wait3A_203 = arith.constant 0 : i32
      %dma_wait3A_204 = arith.constant 0 : i32
      %dma_wait3A_205 = tpu.memref_slice %arg5[%dma_wait3A_203, %dma_wait3A_204] : memref<320000x128xf32, #tpu.memory_space<hbm>> -> memref<40x128xf32, #tpu.memory_space<hbm>>
      %dma_wait3A_206 = arith.constant 0 : i32
      %dma_wait3A_207 = arith.constant 0 : i32
      %dma_wait3A_208 = tpu.memref_slice %arg5[%dma_wait3A_206, %dma_wait3A_207] : memref<320000x128xf32, #tpu.memory_space<hbm>> -> memref<40x128xf32, #tpu.memory_space<hbm>>
      tpu.wait_dma2 semaphore(%arg27 : memref<!tpu.dma_semaphore, #tpu.memory_space<semaphore_mem>>) src(%dma_wait3A_208 : memref<40x128xf32, #tpu.memory_space<hbm>>) dst(%arg19 : memref<40x128xf32, #tpu.memory_space<vmem>>)
      %scan3A_209 = arith.constant 0 : i32
      %scan3A_210 = arith.constant 0 : i32
      %scan3A_211 = arith.constant 40 : i32
      %scan3A_212 = arith.addi %scan3A_210, %scan3A_211 : i32
      %scan3A_213 = arith.constant 1 : i32
      %scan3A_214 = scf.for %scan3A_223 = %scan3A_210 to %scan3A_212 step %scan3A_213 iter_args(%scan3A_224 = %scan3A_209) -> (i32)  : i32 {
        %get3A_225 = arith.index_cast %scan3A_223 : i32 to index
        %get3A_226 = arith.constant 0 : index
        %get3A_227 = tpu.vector_load %arg17[%get3A_225, %get3A_226] {strides = array<i32>} : memref<40x128xf32, #tpu.memory_space<vmem>>, vector<16xf32>,
        %get3A_228 = arith.index_cast %scan3A_223 : i32 to index
        %get3A_229 = arith.constant 0 : index
        %get3A_230 = tpu.vector_load %arg18[%get3A_228, %get3A_229] {strides = array<i32>} : memref<40x128xf32, #tpu.memory_space<vmem>>, vector<16xf32>,
        %add3A_231 = arith.addf %get3A_227, %get3A_230 : vector<16xf32>
        %get3A_232 = arith.index_cast %scan3A_223 : i32 to index
        %get3A_233 = arith.constant 0 : index
        %get3A_234 = tpu.vector_load %arg19[%get3A_232, %get3A_233] {strides = array<i32>} : memref<40x128xf32, #tpu.memory_space<vmem>>, vector<16xf32>,
        %add3A_235 = arith.addf %add3A_231, %get3A_234 : vector<16xf32>
        %max3A = arith.constant 0.000000e+00 : f32
        %max3A_236 = vector.broadcast %max3A : f32 to vector<16xf32>
        %max3A_237 = arith.maximumf %add3A_235, %max3A_236 : vector<16xf32>
        %swap3A = arith.index_cast %scan3A_223 : i32 to index
        %swap3A_238 = arith.constant 0 : index
        %swap3A_239 = tpu.vector_load %arg17[%swap3A, %swap3A_238] {strides = array<i32>} : memref<40x128xf32, #tpu.memory_space<vmem>>, vector<16xf32>,
        tpu.vector_store %arg17[%swap3A, %swap3A_238], %max3A_237 {strides = array<i32>} : memref<40x128xf32, #tpu.memory_space<vmem>>, vector<16xf32>,
        %get3A_240 = arith.index_cast %scan3A_223 : i32 to index
        %get3A_241 = arith.constant 16 : index
        %get3A_242 = tpu.vector_load %arg17[%get3A_240, %get3A_241] {strides = array<i32>} : memref<40x128xf32, #tpu.memory_space<vmem>>, vector<16xf32>,
        %get3A_243 = arith.index_cast %scan3A_223 : i32 to index
        %get3A_244 = arith.constant 16 : index
        %get3A_245 = tpu.vector_load %arg18[%get3A_243, %get3A_244] {strides = array<i32>} : memref<40x128xf32, #tpu.memory_space<vmem>>, vector<16xf32>,
        %add3A_246 = arith.addf %get3A_242, %get3A_245 : vector<16xf32>
        %get3A_247 = arith.index_cast %scan3A_223 : i32 to index
        %get3A_248 = arith.constant 16 : index
        %get3A_249 = tpu.vector_load %arg19[%get3A_247, %get3A_248] {strides = array<i32>} : memref<40x128xf32, #tpu.memory_space<vmem>>, vector<16xf32>,
        %add3A_250 = arith.addf %add3A_246, %get3A_249 : vector<16xf32>
        %max3A_251 = arith.constant 0.000000e+00 : f32
        %max3A_252 = vector.broadcast %max3A_251 : f32 to vector<16xf32>
        %max3A_253 = arith.maximumf %add3A_250, %max3A_252 : vector<16xf32>
        %swap3A_254 = arith.index_cast %scan3A_223 : i32 to index
        %swap3A_255 = arith.constant 16 : index
        %swap3A_256 = tpu.vector_load %arg17[%swap3A_254, %swap3A_255] {strides = array<i32>} : memref<40x128xf32, #tpu.memory_space<vmem>>, vector<16xf32>,
        tpu.vector_store %arg17[%swap3A_254, %swap3A_255], %max3A_253 {strides = array<i32>} : memref<40x128xf32, #tpu.memory_space<vmem>>, vector<16xf32>,
        %get3A_257 = arith.index_cast %scan3A_223 : i32 to index
        %get3A_258 = arith.constant 32 : index
        %get3A_259 = tpu.vector_load %arg17[%get3A_257, %get3A_258] {strides = array<i32>} : memref<40x128xf32, #tpu.memory_space<vmem>>, vector<16xf32>,
        %get3A_260 = arith.index_cast %scan3A_223 : i32 to index
        %get3A_261 = arith.constant 32 : index
        %get3A_262 = tpu.vector_load %arg18[%get3A_260, %get3A_261] {strides = array<i32>} : memref<40x128xf32, #tpu.memory_space<vmem>>, vector<16xf32>,
        %add3A_263 = arith.addf %get3A_259, %get3A_262 : vector<16xf32>
        %get3A_264 = arith.index_cast %scan3A_223 : i32 to index
        %get3A_265 = arith.constant 32 : index
        %get3A_266 = tpu.vector_load %arg19[%get3A_264, %get3A_265] {strides = array<i32>} : memref<40x128xf32, #tpu.memory_space<vmem>>, vector<16xf32>,
        %add3A_267 = arith.addf %add3A_263, %get3A_266 : vector<16xf32>
        %max3A_268 = arith.constant 0.000000e+00 : f32
        %max3A_269 = vector.broadcast %max3A_268 : f32 to vector<16xf32>
        %max3A_270 = arith.maximumf %add3A_267, %max3A_269 : vector<16xf32>
        %swap3A_271 = arith.index_cast %scan3A_223 : i32 to index
        %swap3A_272 = arith.constant 32 : index
        %swap3A_273 = tpu.vector_load %arg17[%swap3A_271, %swap3A_272] {strides = array<i32>} : memref<40x128xf32, #tpu.memory_space<vmem>>, vector<16xf32>,
        tpu.vector_store %arg17[%swap3A_271, %swap3A_272], %max3A_270 {strides = array<i32>} : memref<40x128xf32, #tpu.memory_space<vmem>>, vector<16xf32>,
        %get3A_274 = arith.index_cast %scan3A_223 : i32 to index
        %get3A_275 = arith.constant 48 : index
        %get3A_276 = tpu.vector_load %arg17[%get3A_274, %get3A_275] {strides = array<i32>} : memref<40x128xf32, #tpu.memory_space<vmem>>, vector<16xf32>,
        %get3A_277 = arith.index_cast %scan3A_223 : i32 to index
        %get3A_278 = arith.constant 48 : index
        %get3A_279 = tpu.vector_load %arg18[%get3A_277, %get3A_278] {strides = array<i32>} : memref<40x128xf32, #tpu.memory_space<vmem>>, vector<16xf32>,
        %add3A_280 = arith.addf %get3A_276, %get3A_279 : vector<16xf32>
        %get3A_281 = arith.index_cast %scan3A_223 : i32 to index
        %get3A_282 = arith.constant 48 : index
        %get3A_283 = tpu.vector_load %arg19[%get3A_281, %get3A_282] {strides = array<i32>} : memref<40x128xf32, #tpu.memory_space<vmem>>, vector<16xf32>,
        %add3A_284 = arith.addf %add3A_280, %get3A_283 : vector<16xf32>
        %max3A_285 = arith.constant 0.000000e+00 : f32
        %max3A_286 = vector.broadcast %max3A_285 : f32 to vector<16xf32>
        %max3A_287 = arith.maximumf %add3A_284, %max3A_286 : vector<16xf32>
        %swap3A_288 = arith.index_cast %scan3A_223 : i32 to index
        %swap3A_289 = arith.constant 48 : index
        %swap3A_290 = tpu.vector_load %arg17[%swap3A_288, %swap3A_289] {strides = array<i32>} : memref<40x128xf32, #tpu.memory_space<vmem>>, vector<16xf32>,
        tpu.vector_store %arg17[%swap3A_288, %swap3A_289], %max3A_287 {strides = array<i32>} : memref<40x128xf32, #tpu.memory_space<vmem>>, vector<16xf32>,
        %get3A_291 = arith.index_cast %scan3A_223 : i32 to index
        %get3A_292 = arith.constant 64 : index
        %get3A_293 = tpu.vector_load %arg17[%get3A_291, %get3A_292] {strides = array<i32>} : memref<40x128xf32, #tpu.memory_space<vmem>>, vector<16xf32>,
        %get3A_294 = arith.index_cast %scan3A_223 : i32 to index
        %get3A_295 = arith.constant 64 : index
        %get3A_296 = tpu.vector_load %arg18[%get3A_294, %get3A_295] {strides = array<i32>} : memref<40x128xf32, #tpu.memory_space<vmem>>, vector<16xf32>,
        %add3A_297 = arith.addf %get3A_293, %get3A_296 : vector<16xf32>
        %get3A_298 = arith.index_cast %scan3A_223 : i32 to index
        %get3A_299 = arith.constant 64 : index
        %get3A_300 = tpu.vector_load %arg19[%get3A_298, %get3A_299] {strides = array<i32>} : memref<40x128xf32, #tpu.memory_space<vmem>>, vector<16xf32>,
        %add3A_301 = arith.addf %add3A_297, %get3A_300 : vector<16xf32>
        %max3A_302 = arith.constant 0.000000e+00 : f32
        %max3A_303 = vector.broadcast %max3A_302 : f32 to vector<16xf32>
        %max3A_304 = arith.maximumf %add3A_301, %max3A_303 : vector<16xf32>
        %swap3A_305 = arith.index_cast %scan3A_223 : i32 to index
        %swap3A_306 = arith.constant 64 : index
        %swap3A_307 = tpu.vector_load %arg17[%swap3A_305, %swap3A_306] {strides = array<i32>} : memref<40x128xf32, #tpu.memory_space<vmem>>, vector<16xf32>,
        tpu.vector_store %arg17[%swap3A_305, %swap3A_306], %max3A_304 {strides = array<i32>} : memref<40x128xf32, #tpu.memory_space<vmem>>, vector<16xf32>,
        %get3A_308 = arith.index_cast %scan3A_223 : i32 to index
        %get3A_309 = arith.constant 80 : index
        %get3A_310 = tpu.vector_load %arg17[%get3A_308, %get3A_309] {strides = array<i32>} : memref<40x128xf32, #tpu.memory_space<vmem>>, vector<16xf32>,
        %get3A_311 = arith.index_cast %scan3A_223 : i32 to index
        %get3A_312 = arith.constant 80 : index
        %get3A_313 = tpu.vector_load %arg18[%get3A_311, %get3A_312] {strides = array<i32>} : memref<40x128xf32, #tpu.memory_space<vmem>>, vector<16xf32>,
        %add3A_314 = arith.addf %get3A_310, %get3A_313 : vector<16xf32>
        %get3A_315 = arith.index_cast %scan3A_223 : i32 to index
        %get3A_316 = arith.constant 80 : index
        %get3A_317 = tpu.vector_load %arg19[%get3A_315, %get3A_316] {strides = array<i32>} : memref<40x128xf32, #tpu.memory_space<vmem>>, vector<16xf32>,
        %add3A_318 = arith.addf %add3A_314, %get3A_317 : vector<16xf32>
        %max3A_319 = arith.constant 0.000000e+00 : f32
        %max3A_320 = vector.broadcast %max3A_319 : f32 to vector<16xf32>
        %max3A_321 = arith.maximumf %add3A_318, %max3A_320 : vector<16xf32>
        %swap3A_322 = arith.index_cast %scan3A_223 : i32 to index
        %swap3A_323 = arith.constant 80 : index
        %swap3A_324 = tpu.vector_load %arg17[%swap3A_322, %swap3A_323] {strides = array<i32>} : memref<40x128xf32, #tpu.memory_space<vmem>>, vector<16xf32>,
        tpu.vector_store %arg17[%swap3A_322, %swap3A_323], %max3A_321 {strides = array<i32>} : memref<40x128xf32, #tpu.memory_space<vmem>>, vector<16xf32>,
        %get3A_325 = arith.index_cast %scan3A_223 : i32 to index
        %get3A_326 = arith.constant 96 : index
        %get3A_327 = tpu.vector_load %arg17[%get3A_325, %get3A_326] {strides = array<i32>} : memref<40x128xf32, #tpu.memory_space<vmem>>, vector<16xf32>,
        %get3A_328 = arith.index_cast %scan3A_223 : i32 to index
        %get3A_329 = arith.constant 96 : index
        %get3A_330 = tpu.vector_load %arg18[%get3A_328, %get3A_329] {strides = array<i32>} : memref<40x128xf32, #tpu.memory_space<vmem>>, vector<16xf32>,
        %add3A_331 = arith.addf %get3A_327, %get3A_330 : vector<16xf32>
        %get3A_332 = arith.index_cast %scan3A_223 : i32 to index
        %get3A_333 = arith.constant 96 : index
        %get3A_334 = tpu.vector_load %arg19[%get3A_332, %get3A_333] {strides = array<i32>} : memref<40x128xf32, #tpu.memory_space<vmem>>, vector<16xf32>,
        %add3A_335 = arith.addf %add3A_331, %get3A_334 : vector<16xf32>
        %max3A_336 = arith.constant 0.000000e+00 : f32
        %max3A_337 = vector.broadcast %max3A_336 : f32 to vector<16xf32>
        %max3A_338 = arith.maximumf %add3A_335, %max3A_337 : vector<16xf32>
        %swap3A_339 = arith.index_cast %scan3A_223 : i32 to index
        %swap3A_340 = arith.constant 96 : index
        %swap3A_341 = tpu.vector_load %arg17[%swap3A_339, %swap3A_340] {strides = array<i32>} : memref<40x128xf32, #tpu.memory_space<vmem>>, vector<16xf32>,
        tpu.vector_store %arg17[%swap3A_339, %swap3A_340], %max3A_338 {strides = array<i32>} : memref<40x128xf32, #tpu.memory_space<vmem>>, vector<16xf32>,
        %get3A_342 = arith.index_cast %scan3A_223 : i32 to index
        %get3A_343 = arith.constant 112 : index
        %get3A_344 = tpu.vector_load %arg17[%get3A_342, %get3A_343] {strides = array<i32>} : memref<40x128xf32, #tpu.memory_space<vmem>>, vector<16xf32>,
        %get3A_345 = arith.index_cast %scan3A_223 : i32 to index
        %get3A_346 = arith.constant 112 : index
        %get3A_347 = tpu.vector_load %arg18[%get3A_345, %get3A_346] {strides = array<i32>} : memref<40x128xf32, #tpu.memory_space<vmem>>, vector<16xf32>,
        %add3A_348 = arith.addf %get3A_344, %get3A_347 : vector<16xf32>
        %get3A_349 = arith.index_cast %scan3A_223 : i32 to index
        %get3A_350 = arith.constant 112 : index
        %get3A_351 = tpu.vector_load %arg19[%get3A_349, %get3A_350] {strides = array<i32>} : memref<40x128xf32, #tpu.memory_space<vmem>>, vector<16xf32>,
        %add3A_352 = arith.addf %add3A_348, %get3A_351 : vector<16xf32>
        %max3A_353 = arith.constant 0.000000e+00 : f32
        %max3A_354 = vector.broadcast %max3A_353 : f32 to vector<16xf32>
        %max3A_355 = arith.maximumf %add3A_352, %max3A_354 : vector<16xf32>
        %swap3A_356 = arith.index_cast %scan3A_223 : i32 to index
        %swap3A_357 = arith.constant 112 : index
        %swap3A_358 = tpu.vector_load %arg17[%swap3A_356, %swap3A_357] {strides = array<i32>} : memref<40x128xf32, #tpu.memory_space<vmem>>, vector<16xf32>,
        tpu.vector_store %arg17[%swap3A_356, %swap3A_357], %max3A_355 {strides = array<i32>} : memref<40x128xf32, #tpu.memory_space<vmem>>, vector<16xf32>,
        %scan3A_359 = arith.constant 0 : i32
        scf.yield %scan3A_359 : i32
      }
      %scan3A_215 = arith.constant 40 : i32
      %get3A_216 = arith.constant 0 : index
      %get3A_217 = tpu.vector_load %arg16[%get3A_216] {strides = array<i32>} : memref<40xi32, #tpu.memory_space<vmem>>, vector<16xi32>,
      tpu.vector_store_idx %arg20[%get3A_217], %broadcast_in_dim3A_9 {add = true} : memref<10240xf32, #tpu.memory_space<vmem>>[vector<16xi32>], vector<16xf32>,
      %get3A_218 = arith.constant 16 : index
      %get3A_219 = tpu.vector_load %arg16[%get3A_218] {strides = array<i32>} : memref<40xi32, #tpu.memory_space<vmem>>, vector<16xi32>,
      tpu.vector_store_idx %arg20[%get3A_219], %broadcast_in_dim3A_9 {add = true} : memref<10240xf32, #tpu.memory_space<vmem>>[vector<16xi32>], vector<16xf32>,
      %get3A_220 = arith.constant 24 : index
      %get3A_221 = tpu.vector_load %arg16[%get3A_220] {strides = array<i32>} : memref<40xi32, #tpu.memory_space<vmem>>, vector<16xi32>,
      tpu.vector_store_idx %arg20[%get3A_221], %broadcast_in_dim3A_9 masked %ge3A_11 {add = true} : memref<10240xf32, #tpu.memory_space<vmem>>[vector<16xi32>], vector<16xf32>, vector<16xi1>
      "tpu.region"() ({
        %run_scoped3A = tpu.sem_alloc : memref<!tpu.dma_semaphore, #tpu.memory_space<semaphore_mem>>
        %dma_start3A_223 = arith.constant 0 : i32
        %dma_start3A_224 = arith.constant 0 : i32
        %dma_start3A_225 = tpu.memref_slice %arg21[%dma_start3A_223, %dma_start3A_224] : memref<10240x128xf32, #tpu.memory_space<vmem_shared>> -> memref<10240x128xf32, #tpu.memory_space<vmem_shared>>
        tpu.enqueue_indirect_dma source(%arg17 : memref<40x128xf32, #tpu.memory_space<vmem>>) target(%dma_start3A_225 : memref<10240x128xf32, #tpu.memory_space<vmem_shared>>) offsets(%arg16 : memref<40xi32, #tpu.memory_space<vmem>>) semaphore(%run_scoped3A : memref<!tpu.dma_semaphore, #tpu.memory_space<semaphore_mem>>) {add = true}
        %dma_wait3A_226 = arith.constant 0 : i32
        %dma_wait3A_227 = arith.constant 0 : i32
        %dma_wait3A_228 = tpu.memref_slice %arg21[%dma_wait3A_226, %dma_wait3A_227] : memref<10240x128xf32, #tpu.memory_space<vmem_shared>> -> memref<10240x128xf32, #tpu.memory_space<vmem_shared>>
        tpu.wait_indirect_dma semaphore(%run_scoped3A : memref<!tpu.dma_semaphore, #tpu.memory_space<semaphore_mem>>) src(%arg17 : memref<40x128xf32, #tpu.memory_space<vmem>>) dst(%dma_wait3A_228 : memref<10240x128xf32, #tpu.memory_space<vmem_shared>>)
        tpu.yield
      }) : () -> ()
      %scan3A_222 = arith.constant 0 : i32
      scf.yield %scan3A_222 : i32
    }
    %scan3A_31 = arith.constant 125 : i32
    %barrier3A_32 = arith.constant 0 : index
    tpu.barrier barrier_id(%barrier3A_32)
    %add3A_33 = arith.constant 0 : i32
    %add3A_34 = arith.addi %mul3A_2, %add3A_33 : i32
    %mul3A_35 = arith.constant 10240 : i32
    %mul3A_36 = arith.muli %arg0, %mul3A_35 : i32
    %add3A_37 = arith.addi %mul3A_36, %mul3A_2 : i32
    %add3A_38 = arith.constant 0 : i32
    %add3A_39 = arith.addi %add3A_37, %add3A_38 : i32
    "tpu.region"() ({
      %run_scoped3A = tpu.sem_alloc : memref<!tpu.dma_semaphore, #tpu.memory_space<semaphore_mem>>
      %dma_start3A_147 = arith.constant 0 : i32
      %dma_start3A_148 = tpu.memref_slice %arg21[%add3A_34, %dma_start3A_147] : memref<10240x128xf32, #tpu.memory_space<vmem_shared>> -> memref<40x128xf32, #tpu.memory_space<vmem_shared>>
      %dma_start3A_149 = arith.constant 0 : i32
      %dma_start3A_150 = tpu.memref_slice %arg21[%add3A_34, %dma_start3A_149] : memref<10240x128xf32, #tpu.memory_space<vmem_shared>> -> memref<40x128xf32, #tpu.memory_space<vmem_shared>>
      tpu.enqueue_dma source(%dma_start3A_150 : memref<40x128xf32, #tpu.memory_space<vmem_shared>>) target(%arg12 : memref<40x128xf32, #tpu.memory_space<vmem>>) target_semaphore(%run_scoped3A : memref<!tpu.dma_semaphore, #tpu.memory_space<semaphore_mem>>)
      %dma_wait3A = arith.constant 0 : i32
      %dma_wait3A_151 = tpu.memref_slice %arg21[%add3A_34, %dma_wait3A] : memref<10240x128xf32, #tpu.memory_space<vmem_shared>> -> memref<40x128xf32, #tpu.memory_space<vmem_shared>>
      %dma_wait3A_152 = arith.constant 0 : i32
      %dma_wait3A_153 = tpu.memref_slice %arg21[%add3A_34, %dma_wait3A_152] : memref<10240x128xf32, #tpu.memory_space<vmem_shared>> -> memref<40x128xf32, #tpu.memory_space<vmem_shared>>
      tpu.wait_dma2 semaphore(%run_scoped3A : memref<!tpu.dma_semaphore, #tpu.memory_space<semaphore_mem>>) src(%dma_wait3A_153 : memref<40x128xf32, #tpu.memory_space<vmem_shared>>) dst(%arg12 : memref<40x128xf32, #tpu.memory_space<vmem>>)
      tpu.yield
    }) : () -> ()
    "tpu.region"() ({
      %run_scoped3A = tpu.sem_alloc : memref<!tpu.dma_semaphore, #tpu.memory_space<semaphore_mem>>
      %dma_start3A_147 = arith.constant 0 : i32
      %dma_start3A_148 = tpu.memref_slice %arg8[%add3A_39, %dma_start3A_147] : memref<20480x128xf32, #tpu.memory_space<hbm>> -> memref<40x128xf32, #tpu.memory_space<hbm>>
      %dma_start3A_149 = arith.constant 0 : i32
      %dma_start3A_150 = tpu.memref_slice %arg8[%add3A_39, %dma_start3A_149] : memref<20480x128xf32, #tpu.memory_space<hbm>> -> memref<40x128xf32, #tpu.memory_space<hbm>>
      tpu.enqueue_dma source(%arg12 : memref<40x128xf32, #tpu.memory_space<vmem>>) target(%dma_start3A_150 : memref<40x128xf32, #tpu.memory_space<hbm>>) target_semaphore(%run_scoped3A : memref<!tpu.dma_semaphore, #tpu.memory_space<semaphore_mem>>)
      %dma_wait3A = arith.constant 0 : i32
      %dma_wait3A_151 = tpu.memref_slice %arg8[%add3A_39, %dma_wait3A] : memref<20480x128xf32, #tpu.memory_space<hbm>> -> memref<40x128xf32, #tpu.memory_space<hbm>>
      %dma_wait3A_152 = arith.constant 0 : i32
      %dma_wait3A_153 = tpu.memref_slice %arg8[%add3A_39, %dma_wait3A_152] : memref<20480x128xf32, #tpu.memory_space<hbm>> -> memref<40x128xf32, #tpu.memory_space<hbm>>
      tpu.wait_dma2 semaphore(%run_scoped3A : memref<!tpu.dma_semaphore, #tpu.memory_space<semaphore_mem>>) src(%arg12 : memref<40x128xf32, #tpu.memory_space<vmem>>) dst(%dma_wait3A_153 : memref<40x128xf32, #tpu.memory_space<hbm>>)
      tpu.yield
    }) : () -> ()
    %add3A_40 = arith.constant 40 : i32
    %add3A_41 = arith.addi %mul3A_2, %add3A_40 : i32
    %mul3A_42 = arith.constant 10240 : i32
    %mul3A_43 = arith.muli %arg0, %mul3A_42 : i32
    %add3A_44 = arith.addi %mul3A_43, %mul3A_2 : i32
    %add3A_45 = arith.constant 40 : i32
    %add3A_46 = arith.addi %add3A_44, %add3A_45 : i32
    "tpu.region"() ({
      %run_scoped3A = tpu.sem_alloc : memref<!tpu.dma_semaphore, #tpu.memory_space<semaphore_mem>>
      %dma_start3A_147 = arith.constant 0 : i32
      %dma_start3A_148 = tpu.memref_slice %arg21[%add3A_41, %dma_start3A_147] : memref<10240x128xf32, #tpu.memory_space<vmem_shared>> -> memref<40x128xf32, #tpu.memory_space<vmem_shared>>
      %dma_start3A_149 = arith.constant 0 : i32
      %dma_start3A_150 = tpu.memref_slice %arg21[%add3A_41, %dma_start3A_149] : memref<10240x128xf32, #tpu.memory_space<vmem_shared>> -> memref<40x128xf32, #tpu.memory_space<vmem_shared>>
      tpu.enqueue_dma source(%dma_start3A_150 : memref<40x128xf32, #tpu.memory_space<vmem_shared>>) target(%arg12 : memref<40x128xf32, #tpu.memory_space<vmem>>) target_semaphore(%run_scoped3A : memref<!tpu.dma_semaphore, #tpu.memory_space<semaphore_mem>>)
      %dma_wait3A = arith.constant 0 : i32
      %dma_wait3A_151 = tpu.memref_slice %arg21[%add3A_41, %dma_wait3A] : memref<10240x128xf32, #tpu.memory_space<vmem_shared>> -> memref<40x128xf32, #tpu.memory_space<vmem_shared>>
      %dma_wait3A_152 = arith.constant 0 : i32
      %dma_wait3A_153 = tpu.memref_slice %arg21[%add3A_41, %dma_wait3A_152] : memref<10240x128xf32, #tpu.memory_space<vmem_shared>> -> memref<40x128xf32, #tpu.memory_space<vmem_shared>>
      tpu.wait_dma2 semaphore(%run_scoped3A : memref<!tpu.dma_semaphore, #tpu.memory_space<semaphore_mem>>) src(%dma_wait3A_153 : memref<40x128xf32, #tpu.memory_space<vmem_shared>>) dst(%arg12 : memref<40x128xf32, #tpu.memory_space<vmem>>)
      tpu.yield
    }) : () -> ()
    "tpu.region"() ({
      %run_scoped3A = tpu.sem_alloc : memref<!tpu.dma_semaphore, #tpu.memory_space<semaphore_mem>>
      %dma_start3A_147 = arith.constant 0 : i32
      %dma_start3A_148 = tpu.memref_slice %arg8[%add3A_46, %dma_start3A_147] : memref<20480x128xf32, #tpu.memory_space<hbm>> -> memref<40x128xf32, #tpu.memory_space<hbm>>
      %dma_start3A_149 = arith.constant 0 : i32
      %dma_start3A_150 = tpu.memref_slice %arg8[%add3A_46, %dma_start3A_149] : memref<20480x128xf32, #tpu.memory_space<hbm>> -> memref<40x128xf32, #tpu.memory_space<hbm>>
      tpu.enqueue_dma source(%arg12 : memref<40x128xf32, #tpu.memory_space<vmem>>) target(%dma_start3A_150 : memref<40x128xf32, #tpu.memory_space<hbm>>) target_semaphore(%run_scoped3A : memref<!tpu.dma_semaphore, #tpu.memory_space<semaphore_mem>>)
      %dma_wait3A = arith.constant 0 : i32
      %dma_wait3A_151 = tpu.memref_slice %arg8[%add3A_46, %dma_wait3A] : memref<20480x128xf32, #tpu.memory_space<hbm>> -> memref<40x128xf32, #tpu.memory_space<hbm>>
      %dma_wait3A_152 = arith.constant 0 : i32
      %dma_wait3A_153 = tpu.memref_slice %arg8[%add3A_46, %dma_wait3A_152] : memref<20480x128xf32, #tpu.memory_space<hbm>> -> memref<40x128xf32, #tpu.memory_space<hbm>>
      tpu.wait_dma2 semaphore(%run_scoped3A : memref<!tpu.dma_semaphore, #tpu.memory_space<semaphore_mem>>) src(%arg12 : memref<40x128xf32, #tpu.memory_space<vmem>>) dst(%dma_wait3A_153 : memref<40x128xf32, #tpu.memory_space<hbm>>)
      tpu.yield
    }) : () -> ()
    %add3A_47 = arith.constant 80 : i32
    %add3A_48 = arith.addi %mul3A_2, %add3A_47 : i32
    %mul3A_49 = arith.constant 10240 : i32
    %mul3A_50 = arith.muli %arg0, %mul3A_49 : i32
    %add3A_51 = arith.addi %mul3A_50, %mul3A_2 : i32
    %add3A_52 = arith.constant 80 : i32
    %add3A_53 = arith.addi %add3A_51, %add3A_52 : i32
    "tpu.region"() ({
      %run_scoped3A = tpu.sem_alloc : memref<!tpu.dma_semaphore, #tpu.memory_space<semaphore_mem>>
      %dma_start3A_147 = arith.constant 0 : i32
      %dma_start3A_148 = tpu.memref_slice %arg21[%add3A_48, %dma_start3A_147] : memref<10240x128xf32, #tpu.memory_space<vmem_shared>> -> memref<40x128xf32, #tpu.memory_space<vmem_shared>>
      %dma_start3A_149 = arith.constant 0 : i32
      %dma_start3A_150 = tpu.memref_slice %arg21[%add3A_48, %dma_start3A_149] : memref<10240x128xf32, #tpu.memory_space<vmem_shared>> -> memref<40x128xf32, #tpu.memory_space<vmem_shared>>
      tpu.enqueue_dma source(%dma_start3A_150 : memref<40x128xf32, #tpu.memory_space<vmem_shared>>) target(%arg12 : memref<40x128xf32, #tpu.memory_space<vmem>>) target_semaphore(%run_scoped3A : memref<!tpu.dma_semaphore, #tpu.memory_space<semaphore_mem>>)
      %dma_wait3A = arith.constant 0 : i32
      %dma_wait3A_151 = tpu.memref_slice %arg21[%add3A_48, %dma_wait3A] : memref<10240x128xf32, #tpu.memory_space<vmem_shared>> -> memref<40x128xf32, #tpu.memory_space<vmem_shared>>
      %dma_wait3A_152 = arith.constant 0 : i32
      %dma_wait3A_153 = tpu.memref_slice %arg21[%add3A_48, %dma_wait3A_152] : memref<10240x128xf32, #tpu.memory_space<vmem_shared>> -> memref<40x128xf32, #tpu.memory_space<vmem_shared>>
      tpu.wait_dma2 semaphore(%run_scoped3A : memref<!tpu.dma_semaphore, #tpu.memory_space<semaphore_mem>>) src(%dma_wait3A_153 : memref<40x128xf32, #tpu.memory_space<vmem_shared>>) dst(%arg12 : memref<40x128xf32, #tpu.memory_space<vmem>>)
      tpu.yield
    }) : () -> ()
    "tpu.region"() ({
      %run_scoped3A = tpu.sem_alloc : memref<!tpu.dma_semaphore, #tpu.memory_space<semaphore_mem>>
      %dma_start3A_147 = arith.constant 0 : i32
      %dma_start3A_148 = tpu.memref_slice %arg8[%add3A_53, %dma_start3A_147] : memref<20480x128xf32, #tpu.memory_space<hbm>> -> memref<40x128xf32, #tpu.memory_space<hbm>>
      %dma_start3A_149 = arith.constant 0 : i32
      %dma_start3A_150 = tpu.memref_slice %arg8[%add3A_53, %dma_start3A_149] : memref<20480x128xf32, #tpu.memory_space<hbm>> -> memref<40x128xf32, #tpu.memory_space<hbm>>
      tpu.enqueue_dma source(%arg12 : memref<40x128xf32, #tpu.memory_space<vmem>>) target(%dma_start3A_150 : memref<40x128xf32, #tpu.memory_space<hbm>>) target_semaphore(%run_scoped3A : memref<!tpu.dma_semaphore, #tpu.memory_space<semaphore_mem>>)
      %dma_wait3A = arith.constant 0 : i32
      %dma_wait3A_151 = tpu.memref_slice %arg8[%add3A_53, %dma_wait3A] : memref<20480x128xf32, #tpu.memory_space<hbm>> -> memref<40x128xf32, #tpu.memory_space<hbm>>
      %dma_wait3A_152 = arith.constant 0 : i32
      %dma_wait3A_153 = tpu.memref_slice %arg8[%add3A_53, %dma_wait3A_152] : memref<20480x128xf32, #tpu.memory_space<hbm>> -> memref<40x128xf32, #tpu.memory_space<hbm>>
      tpu.wait_dma2 semaphore(%run_scoped3A : memref<!tpu.dma_semaphore, #tpu.memory_space<semaphore_mem>>) src(%arg12 : memref<40x128xf32, #tpu.memory_space<vmem>>) dst(%dma_wait3A_153 : memref<40x128xf32, #tpu.memory_space<hbm>>)
      tpu.yield
    }) : () -> ()
    %add3A_54 = arith.constant 120 : i32
    %add3A_55 = arith.addi %mul3A_2, %add3A_54 : i32
    %mul3A_56 = arith.constant 10240 : i32
    %mul3A_57 = arith.muli %arg0, %mul3A_56 : i32
    %add3A_58 = arith.addi %mul3A_57, %mul3A_2 : i32
    %add3A_59 = arith.constant 120 : i32
    %add3A_60 = arith.addi %add3A_58, %add3A_59 : i32
    "tpu.region"() ({
      %run_scoped3A = tpu.sem_alloc : memref<!tpu.dma_semaphore, #tpu.memory_space<semaphore_mem>>
      %dma_start3A_147 = arith.constant 0 : i32
      %dma_start3A_148 = tpu.memref_slice %arg21[%add3A_55, %dma_start3A_147] : memref<10240x128xf32, #tpu.memory_space<vmem_shared>> -> memref<40x128xf32, #tpu.memory_space<vmem_shared>>
      %dma_start3A_149 = arith.constant 0 : i32
      %dma_start3A_150 = tpu.memref_slice %arg21[%add3A_55, %dma_start3A_149] : memref<10240x128xf32, #tpu.memory_space<vmem_shared>> -> memref<40x128xf32, #tpu.memory_space<vmem_shared>>
      tpu.enqueue_dma source(%dma_start3A_150 : memref<40x128xf32, #tpu.memory_space<vmem_shared>>) target(%arg12 : memref<40x128xf32, #tpu.memory_space<vmem>>) target_semaphore(%run_scoped3A : memref<!tpu.dma_semaphore, #tpu.memory_space<semaphore_mem>>)
      %dma_wait3A = arith.constant 0 : i32
      %dma_wait3A_151 = tpu.memref_slice %arg21[%add3A_55, %dma_wait3A] : memref<10240x128xf32, #tpu.memory_space<vmem_shared>> -> memref<40x128xf32, #tpu.memory_space<vmem_shared>>
      %dma_wait3A_152 = arith.constant 0 : i32
      %dma_wait3A_153 = tpu.memref_slice %arg21[%add3A_55, %dma_wait3A_152] : memref<10240x128xf32, #tpu.memory_space<vmem_shared>> -> memref<40x128xf32, #tpu.memory_space<vmem_shared>>
      tpu.wait_dma2 semaphore(%run_scoped3A : memref<!tpu.dma_semaphore, #tpu.memory_space<semaphore_mem>>) src(%dma_wait3A_153 : memref<40x128xf32, #tpu.memory_space<vmem_shared>>) dst(%arg12 : memref<40x128xf32, #tpu.memory_space<vmem>>)
      tpu.yield
    }) : () -> ()
    "tpu.region"() ({
      %run_scoped3A = tpu.sem_alloc : memref<!tpu.dma_semaphore, #tpu.memory_space<semaphore_mem>>
      %dma_start3A_147 = arith.constant 0 : i32
      %dma_start3A_148 = tpu.memref_slice %arg8[%add3A_60, %dma_start3A_147] : memref<20480x128xf32, #tpu.memory_space<hbm>> -> memref<40x128xf32, #tpu.memory_space<hbm>>
      %dma_start3A_149 = arith.constant 0 : i32
      %dma_start3A_150 = tpu.memref_slice %arg8[%add3A_60, %dma_start3A_149] : memref<20480x128xf32, #tpu.memory_space<hbm>> -> memref<40x128xf32, #tpu.memory_space<hbm>>
      tpu.enqueue_dma source(%arg12 : memref<40x128xf32, #tpu.memory_space<vmem>>) target(%dma_start3A_150 : memref<40x128xf32, #tpu.memory_space<hbm>>) target_semaphore(%run_scoped3A : memref<!tpu.dma_semaphore, #tpu.memory_space<semaphore_mem>>)
      %dma_wait3A = arith.constant 0 : i32
      %dma_wait3A_151 = tpu.memref_slice %arg8[%add3A_60, %dma_wait3A] : memref<20480x128xf32, #tpu.memory_space<hbm>> -> memref<40x128xf32, #tpu.memory_space<hbm>>
      %dma_wait3A_152 = arith.constant 0 : i32
      %dma_wait3A_153 = tpu.memref_slice %arg8[%add3A_60, %dma_wait3A_152] : memref<20480x128xf32, #tpu.memory_space<hbm>> -> memref<40x128xf32, #tpu.memory_space<hbm>>
      tpu.wait_dma2 semaphore(%run_scoped3A : memref<!tpu.dma_semaphore, #tpu.memory_space<semaphore_mem>>) src(%arg12 : memref<40x128xf32, #tpu.memory_space<vmem>>) dst(%dma_wait3A_153 : memref<40x128xf32, #tpu.memory_space<hbm>>)
      tpu.yield
    }) : () -> ()
    %add3A_61 = arith.constant 160 : i32
    %add3A_62 = arith.addi %mul3A_2, %add3A_61 : i32
    %mul3A_63 = arith.constant 10240 : i32
    %mul3A_64 = arith.muli %arg0, %mul3A_63 : i32
    %add3A_65 = arith.addi %mul3A_64, %mul3A_2 : i32
    %add3A_66 = arith.constant 160 : i32
    %add3A_67 = arith.addi %add3A_65, %add3A_66 : i32
    "tpu.region"() ({
      %run_scoped3A = tpu.sem_alloc : memref<!tpu.dma_semaphore, #tpu.memory_space<semaphore_mem>>
      %dma_start3A_147 = arith.constant 0 : i32
      %dma_start3A_148 = tpu.memref_slice %arg21[%add3A_62, %dma_start3A_147] : memref<10240x128xf32, #tpu.memory_space<vmem_shared>> -> memref<40x128xf32, #tpu.memory_space<vmem_shared>>
      %dma_start3A_149 = arith.constant 0 : i32
      %dma_start3A_150 = tpu.memref_slice %arg21[%add3A_62, %dma_start3A_149] : memref<10240x128xf32, #tpu.memory_space<vmem_shared>> -> memref<40x128xf32, #tpu.memory_space<vmem_shared>>
      tpu.enqueue_dma source(%dma_start3A_150 : memref<40x128xf32, #tpu.memory_space<vmem_shared>>) target(%arg12 : memref<40x128xf32, #tpu.memory_space<vmem>>) target_semaphore(%run_scoped3A : memref<!tpu.dma_semaphore, #tpu.memory_space<semaphore_mem>>)
      %dma_wait3A = arith.constant 0 : i32
      %dma_wait3A_151 = tpu.memref_slice %arg21[%add3A_62, %dma_wait3A] : memref<10240x128xf32, #tpu.memory_space<vmem_shared>> -> memref<40x128xf32, #tpu.memory_space<vmem_shared>>
      %dma_wait3A_152 = arith.constant 0 : i32
      %dma_wait3A_153 = tpu.memref_slice %arg21[%add3A_62, %dma_wait3A_152] : memref<10240x128xf32, #tpu.memory_space<vmem_shared>> -> memref<40x128xf32, #tpu.memory_space<vmem_shared>>
      tpu.wait_dma2 semaphore(%run_scoped3A : memref<!tpu.dma_semaphore, #tpu.memory_space<semaphore_mem>>) src(%dma_wait3A_153 : memref<40x128xf32, #tpu.memory_space<vmem_shared>>) dst(%arg12 : memref<40x128xf32, #tpu.memory_space<vmem>>)
      tpu.yield
    }) : () -> ()
    "tpu.region"() ({
      %run_scoped3A = tpu.sem_alloc : memref<!tpu.dma_semaphore, #tpu.memory_space<semaphore_mem>>
      %dma_start3A_147 = arith.constant 0 : i32
      %dma_start3A_148 = tpu.memref_slice %arg8[%add3A_67, %dma_start3A_147] : memref<20480x128xf32, #tpu.memory_space<hbm>> -> memref<40x128xf32, #tpu.memory_space<hbm>>
      %dma_start3A_149 = arith.constant 0 : i32
      %dma_start3A_150 = tpu.memref_slice %arg8[%add3A_67, %dma_start3A_149] : memref<20480x128xf32, #tpu.memory_space<hbm>> -> memref<40x128xf32, #tpu.memory_space<hbm>>
      tpu.enqueue_dma source(%arg12 : memref<40x128xf32, #tpu.memory_space<vmem>>) target(%dma_start3A_150 : memref<40x128xf32, #tpu.memory_space<hbm>>) target_semaphore(%run_scoped3A : memref<!tpu.dma_semaphore, #tpu.memory_space<semaphore_mem>>)
      %dma_wait3A = arith.constant 0 : i32
      %dma_wait3A_151 = tpu.memref_slice %arg8[%add3A_67, %dma_wait3A] : memref<20480x128xf32, #tpu.memory_space<hbm>> -> memref<40x128xf32, #tpu.memory_space<hbm>>
      %dma_wait3A_152 = arith.constant 0 : i32
      %dma_wait3A_153 = tpu.memref_slice %arg8[%add3A_67, %dma_wait3A_152] : memref<20480x128xf32, #tpu.memory_space<hbm>> -> memref<40x128xf32, #tpu.memory_space<hbm>>
      tpu.wait_dma2 semaphore(%run_scoped3A : memref<!tpu.dma_semaphore, #tpu.memory_space<semaphore_mem>>) src(%arg12 : memref<40x128xf32, #tpu.memory_space<vmem>>) dst(%dma_wait3A_153 : memref<40x128xf32, #tpu.memory_space<hbm>>)
      tpu.yield
    }) : () -> ()
    %add3A_68 = arith.constant 200 : i32
    %add3A_69 = arith.addi %mul3A_2, %add3A_68 : i32
    %mul3A_70 = arith.constant 10240 : i32
    %mul3A_71 = arith.muli %arg0, %mul3A_70 : i32
    %add3A_72 = arith.addi %mul3A_71, %mul3A_2 : i32
    %add3A_73 = arith.constant 200 : i32
    %add3A_74 = arith.addi %add3A_72, %add3A_73 : i32
    "tpu.region"() ({
      %run_scoped3A = tpu.sem_alloc : memref<!tpu.dma_semaphore, #tpu.memory_space<semaphore_mem>>
      %dma_start3A_147 = arith.constant 0 : i32
      %dma_start3A_148 = tpu.memref_slice %arg21[%add3A_69, %dma_start3A_147] : memref<10240x128xf32, #tpu.memory_space<vmem_shared>> -> memref<40x128xf32, #tpu.memory_space<vmem_shared>>
      %dma_start3A_149 = arith.constant 0 : i32
      %dma_start3A_150 = tpu.memref_slice %arg21[%add3A_69, %dma_start3A_149] : memref<10240x128xf32, #tpu.memory_space<vmem_shared>> -> memref<40x128xf32, #tpu.memory_space<vmem_shared>>
      tpu.enqueue_dma source(%dma_start3A_150 : memref<40x128xf32, #tpu.memory_space<vmem_shared>>) target(%arg12 : memref<40x128xf32, #tpu.memory_space<vmem>>) target_semaphore(%run_scoped3A : memref<!tpu.dma_semaphore, #tpu.memory_space<semaphore_mem>>)
      %dma_wait3A = arith.constant 0 : i32
      %dma_wait3A_151 = tpu.memref_slice %arg21[%add3A_69, %dma_wait3A] : memref<10240x128xf32, #tpu.memory_space<vmem_shared>> -> memref<40x128xf32, #tpu.memory_space<vmem_shared>>
      %dma_wait3A_152 = arith.constant 0 : i32
      %dma_wait3A_153 = tpu.memref_slice %arg21[%add3A_69, %dma_wait3A_152] : memref<10240x128xf32, #tpu.memory_space<vmem_shared>> -> memref<40x128xf32, #tpu.memory_space<vmem_shared>>
      tpu.wait_dma2 semaphore(%run_scoped3A : memref<!tpu.dma_semaphore, #tpu.memory_space<semaphore_mem>>) src(%dma_wait3A_153 : memref<40x128xf32, #tpu.memory_space<vmem_shared>>) dst(%arg12 : memref<40x128xf32, #tpu.memory_space<vmem>>)
      tpu.yield
    }) : () -> ()
    "tpu.region"() ({
      %run_scoped3A = tpu.sem_alloc : memref<!tpu.dma_semaphore, #tpu.memory_space<semaphore_mem>>
      %dma_start3A_147 = arith.constant 0 : i32
      %dma_start3A_148 = tpu.memref_slice %arg8[%add3A_74, %dma_start3A_147] : memref<20480x128xf32, #tpu.memory_space<hbm>> -> memref<40x128xf32, #tpu.memory_space<hbm>>
      %dma_start3A_149 = arith.constant 0 : i32
      %dma_start3A_150 = tpu.memref_slice %arg8[%add3A_74, %dma_start3A_149] : memref<20480x128xf32, #tpu.memory_space<hbm>> -> memref<40x128xf32, #tpu.memory_space<hbm>>
      tpu.enqueue_dma source(%arg12 : memref<40x128xf32, #tpu.memory_space<vmem>>) target(%dma_start3A_150 : memref<40x128xf32, #tpu.memory_space<hbm>>) target_semaphore(%run_scoped3A : memref<!tpu.dma_semaphore, #tpu.memory_space<semaphore_mem>>)
      %dma_wait3A = arith.constant 0 : i32
      %dma_wait3A_151 = tpu.memref_slice %arg8[%add3A_74, %dma_wait3A] : memref<20480x128xf32, #tpu.memory_space<hbm>> -> memref<40x128xf32, #tpu.memory_space<hbm>>
      %dma_wait3A_152 = arith.constant 0 : i32
      %dma_wait3A_153 = tpu.memref_slice %arg8[%add3A_74, %dma_wait3A_152] : memref<20480x128xf32, #tpu.memory_space<hbm>> -> memref<40x128xf32, #tpu.memory_space<hbm>>
      tpu.wait_dma2 semaphore(%run_scoped3A : memref<!tpu.dma_semaphore, #tpu.memory_space<semaphore_mem>>) src(%arg12 : memref<40x128xf32, #tpu.memory_space<vmem>>) dst(%dma_wait3A_153 : memref<40x128xf32, #tpu.memory_space<hbm>>)
      tpu.yield
    }) : () -> ()
    %add3A_75 = arith.constant 240 : i32
    %add3A_76 = arith.addi %mul3A_2, %add3A_75 : i32
    %mul3A_77 = arith.constant 10240 : i32
    %mul3A_78 = arith.muli %arg0, %mul3A_77 : i32
    %add3A_79 = arith.addi %mul3A_78, %mul3A_2 : i32
    %add3A_80 = arith.constant 240 : i32
    %add3A_81 = arith.addi %add3A_79, %add3A_80 : i32
    "tpu.region"() ({
      %run_scoped3A = tpu.sem_alloc : memref<!tpu.dma_semaphore, #tpu.memory_space<semaphore_mem>>
      %dma_start3A_147 = arith.constant 0 : i32
      %dma_start3A_148 = tpu.memref_slice %arg21[%add3A_76, %dma_start3A_147] : memref<10240x128xf32, #tpu.memory_space<vmem_shared>> -> memref<40x128xf32, #tpu.memory_space<vmem_shared>>
      %dma_start3A_149 = arith.constant 0 : i32
      %dma_start3A_150 = tpu.memref_slice %arg21[%add3A_76, %dma_start3A_149] : memref<10240x128xf32, #tpu.memory_space<vmem_shared>> -> memref<40x128xf32, #tpu.memory_space<vmem_shared>>
      tpu.enqueue_dma source(%dma_start3A_150 : memref<40x128xf32, #tpu.memory_space<vmem_shared>>) target(%arg12 : memref<40x128xf32, #tpu.memory_space<vmem>>) target_semaphore(%run_scoped3A : memref<!tpu.dma_semaphore, #tpu.memory_space<semaphore_mem>>)
      %dma_wait3A = arith.constant 0 : i32
      %dma_wait3A_151 = tpu.memref_slice %arg21[%add3A_76, %dma_wait3A] : memref<10240x128xf32, #tpu.memory_space<vmem_shared>> -> memref<40x128xf32, #tpu.memory_space<vmem_shared>>
      %dma_wait3A_152 = arith.constant 0 : i32
      %dma_wait3A_153 = tpu.memref_slice %arg21[%add3A_76, %dma_wait3A_152] : memref<10240x128xf32, #tpu.memory_space<vmem_shared>> -> memref<40x128xf32, #tpu.memory_space<vmem_shared>>
      tpu.wait_dma2 semaphore(%run_scoped3A : memref<!tpu.dma_semaphore, #tpu.memory_space<semaphore_mem>>) src(%dma_wait3A_153 : memref<40x128xf32, #tpu.memory_space<vmem_shared>>) dst(%arg12 : memref<40x128xf32, #tpu.memory_space<vmem>>)
      tpu.yield
    }) : () -> ()
    "tpu.region"() ({
      %run_scoped3A = tpu.sem_alloc : memref<!tpu.dma_semaphore, #tpu.memory_space<semaphore_mem>>
      %dma_start3A_147 = arith.constant 0 : i32
      %dma_start3A_148 = tpu.memref_slice %arg8[%add3A_81, %dma_start3A_147] : memref<20480x128xf32, #tpu.memory_space<hbm>> -> memref<40x128xf32, #tpu.memory_space<hbm>>
      %dma_start3A_149 = arith.constant 0 : i32
      %dma_start3A_150 = tpu.memref_slice %arg8[%add3A_81, %dma_start3A_149] : memref<20480x128xf32, #tpu.memory_space<hbm>> -> memref<40x128xf32, #tpu.memory_space<hbm>>
      tpu.enqueue_dma source(%arg12 : memref<40x128xf32, #tpu.memory_space<vmem>>) target(%dma_start3A_150 : memref<40x128xf32, #tpu.memory_space<hbm>>) target_semaphore(%run_scoped3A : memref<!tpu.dma_semaphore, #tpu.memory_space<semaphore_mem>>)
      %dma_wait3A = arith.constant 0 : i32
      %dma_wait3A_151 = tpu.memref_slice %arg8[%add3A_81, %dma_wait3A] : memref<20480x128xf32, #tpu.memory_space<hbm>> -> memref<40x128xf32, #tpu.memory_space<hbm>>
      %dma_wait3A_152 = arith.constant 0 : i32
      %dma_wait3A_153 = tpu.memref_slice %arg8[%add3A_81, %dma_wait3A_152] : memref<20480x128xf32, #tpu.memory_space<hbm>> -> memref<40x128xf32, #tpu.memory_space<hbm>>
      tpu.wait_dma2 semaphore(%run_scoped3A : memref<!tpu.dma_semaphore, #tpu.memory_space<semaphore_mem>>) src(%arg12 : memref<40x128xf32, #tpu.memory_space<vmem>>) dst(%dma_wait3A_153 : memref<40x128xf32, #tpu.memory_space<hbm>>)
      tpu.yield
    }) : () -> ()
    %add3A_82 = arith.constant 280 : i32
    %add3A_83 = arith.addi %mul3A_2, %add3A_82 : i32
    %mul3A_84 = arith.constant 10240 : i32
    %mul3A_85 = arith.muli %arg0, %mul3A_84 : i32
    %add3A_86 = arith.addi %mul3A_85, %mul3A_2 : i32
    %add3A_87 = arith.constant 280 : i32
    %add3A_88 = arith.addi %add3A_86, %add3A_87 : i32
    "tpu.region"() ({
      %run_scoped3A = tpu.sem_alloc : memref<!tpu.dma_semaphore, #tpu.memory_space<semaphore_mem>>
      %dma_start3A_147 = arith.constant 0 : i32
      %dma_start3A_148 = tpu.memref_slice %arg21[%add3A_83, %dma_start3A_147] : memref<10240x128xf32, #tpu.memory_space<vmem_shared>> -> memref<40x128xf32, #tpu.memory_space<vmem_shared>>
      %dma_start3A_149 = arith.constant 0 : i32
      %dma_start3A_150 = tpu.memref_slice %arg21[%add3A_83, %dma_start3A_149] : memref<10240x128xf32, #tpu.memory_space<vmem_shared>> -> memref<40x128xf32, #tpu.memory_space<vmem_shared>>
      tpu.enqueue_dma source(%dma_start3A_150 : memref<40x128xf32, #tpu.memory_space<vmem_shared>>) target(%arg12 : memref<40x128xf32, #tpu.memory_space<vmem>>) target_semaphore(%run_scoped3A : memref<!tpu.dma_semaphore, #tpu.memory_space<semaphore_mem>>)
      %dma_wait3A = arith.constant 0 : i32
      %dma_wait3A_151 = tpu.memref_slice %arg21[%add3A_83, %dma_wait3A] : memref<10240x128xf32, #tpu.memory_space<vmem_shared>> -> memref<40x128xf32, #tpu.memory_space<vmem_shared>>
      %dma_wait3A_152 = arith.constant 0 : i32
      %dma_wait3A_153 = tpu.memref_slice %arg21[%add3A_83, %dma_wait3A_152] : memref<10240x128xf32, #tpu.memory_space<vmem_shared>> -> memref<40x128xf32, #tpu.memory_space<vmem_shared>>
      tpu.wait_dma2 semaphore(%run_scoped3A : memref<!tpu.dma_semaphore, #tpu.memory_space<semaphore_mem>>) src(%dma_wait3A_153 : memref<40x128xf32, #tpu.memory_space<vmem_shared>>) dst(%arg12 : memref<40x128xf32, #tpu.memory_space<vmem>>)
      tpu.yield
    }) : () -> ()
    "tpu.region"() ({
      %run_scoped3A = tpu.sem_alloc : memref<!tpu.dma_semaphore, #tpu.memory_space<semaphore_mem>>
      %dma_start3A_147 = arith.constant 0 : i32
      %dma_start3A_148 = tpu.memref_slice %arg8[%add3A_88, %dma_start3A_147] : memref<20480x128xf32, #tpu.memory_space<hbm>> -> memref<40x128xf32, #tpu.memory_space<hbm>>
      %dma_start3A_149 = arith.constant 0 : i32
      %dma_start3A_150 = tpu.memref_slice %arg8[%add3A_88, %dma_start3A_149] : memref<20480x128xf32, #tpu.memory_space<hbm>> -> memref<40x128xf32, #tpu.memory_space<hbm>>
      tpu.enqueue_dma source(%arg12 : memref<40x128xf32, #tpu.memory_space<vmem>>) target(%dma_start3A_150 : memref<40x128xf32, #tpu.memory_space<hbm>>) target_semaphore(%run_scoped3A : memref<!tpu.dma_semaphore, #tpu.memory_space<semaphore_mem>>)
      %dma_wait3A = arith.constant 0 : i32
      %dma_wait3A_151 = tpu.memref_slice %arg8[%add3A_88, %dma_wait3A] : memref<20480x128xf32, #tpu.memory_space<hbm>> -> memref<40x128xf32, #tpu.memory_space<hbm>>
      %dma_wait3A_152 = arith.constant 0 : i32
      %dma_wait3A_153 = tpu.memref_slice %arg8[%add3A_88, %dma_wait3A_152] : memref<20480x128xf32, #tpu.memory_space<hbm>> -> memref<40x128xf32, #tpu.memory_space<hbm>>
      tpu.wait_dma2 semaphore(%run_scoped3A : memref<!tpu.dma_semaphore, #tpu.memory_space<semaphore_mem>>) src(%arg12 : memref<40x128xf32, #tpu.memory_space<vmem>>) dst(%dma_wait3A_153 : memref<40x128xf32, #tpu.memory_space<hbm>>)
      tpu.yield
    }) : () -> ()
    %add3A_89 = arith.constant 320 : i32
    %add3A_90 = arith.addi %mul3A_2, %add3A_89 : i32
    %mul3A_91 = arith.constant 10240 : i32
    %mul3A_92 = arith.muli %arg0, %mul3A_91 : i32
    %add3A_93 = arith.addi %mul3A_92, %mul3A_2 : i32
    %add3A_94 = arith.constant 320 : i32
    %add3A_95 = arith.addi %add3A_93, %add3A_94 : i32
    "tpu.region"() ({
      %run_scoped3A = tpu.sem_alloc : memref<!tpu.dma_semaphore, #tpu.memory_space<semaphore_mem>>
      %dma_start3A_147 = arith.constant 0 : i32
      %dma_start3A_148 = tpu.memref_slice %arg21[%add3A_90, %dma_start3A_147] : memref<10240x128xf32, #tpu.memory_space<vmem_shared>> -> memref<40x128xf32, #tpu.memory_space<vmem_shared>>
      %dma_start3A_149 = arith.constant 0 : i32
      %dma_start3A_150 = tpu.memref_slice %arg21[%add3A_90, %dma_start3A_149] : memref<10240x128xf32, #tpu.memory_space<vmem_shared>> -> memref<40x128xf32, #tpu.memory_space<vmem_shared>>
      tpu.enqueue_dma source(%dma_start3A_150 : memref<40x128xf32, #tpu.memory_space<vmem_shared>>) target(%arg12 : memref<40x128xf32, #tpu.memory_space<vmem>>) target_semaphore(%run_scoped3A : memref<!tpu.dma_semaphore, #tpu.memory_space<semaphore_mem>>)
      %dma_wait3A = arith.constant 0 : i32
      %dma_wait3A_151 = tpu.memref_slice %arg21[%add3A_90, %dma_wait3A] : memref<10240x128xf32, #tpu.memory_space<vmem_shared>> -> memref<40x128xf32, #tpu.memory_space<vmem_shared>>
      %dma_wait3A_152 = arith.constant 0 : i32
      %dma_wait3A_153 = tpu.memref_slice %arg21[%add3A_90, %dma_wait3A_152] : memref<10240x128xf32, #tpu.memory_space<vmem_shared>> -> memref<40x128xf32, #tpu.memory_space<vmem_shared>>
      tpu.wait_dma2 semaphore(%run_scoped3A : memref<!tpu.dma_semaphore, #tpu.memory_space<semaphore_mem>>) src(%dma_wait3A_153 : memref<40x128xf32, #tpu.memory_space<vmem_shared>>) dst(%arg12 : memref<40x128xf32, #tpu.memory_space<vmem>>)
      tpu.yield
    }) : () -> ()
    "tpu.region"() ({
      %run_scoped3A = tpu.sem_alloc : memref<!tpu.dma_semaphore, #tpu.memory_space<semaphore_mem>>
      %dma_start3A_147 = arith.constant 0 : i32
      %dma_start3A_148 = tpu.memref_slice %arg8[%add3A_95, %dma_start3A_147] : memref<20480x128xf32, #tpu.memory_space<hbm>> -> memref<40x128xf32, #tpu.memory_space<hbm>>
      %dma_start3A_149 = arith.constant 0 : i32
      %dma_start3A_150 = tpu.memref_slice %arg8[%add3A_95, %dma_start3A_149] : memref<20480x128xf32, #tpu.memory_space<hbm>> -> memref<40x128xf32, #tpu.memory_space<hbm>>
      tpu.enqueue_dma source(%arg12 : memref<40x128xf32, #tpu.memory_space<vmem>>) target(%dma_start3A_150 : memref<40x128xf32, #tpu.memory_space<hbm>>) target_semaphore(%run_scoped3A : memref<!tpu.dma_semaphore, #tpu.memory_space<semaphore_mem>>)
      %dma_wait3A = arith.constant 0 : i32
      %dma_wait3A_151 = tpu.memref_slice %arg8[%add3A_95, %dma_wait3A] : memref<20480x128xf32, #tpu.memory_space<hbm>> -> memref<40x128xf32, #tpu.memory_space<hbm>>
      %dma_wait3A_152 = arith.constant 0 : i32
      %dma_wait3A_153 = tpu.memref_slice %arg8[%add3A_95, %dma_wait3A_152] : memref<20480x128xf32, #tpu.memory_space<hbm>> -> memref<40x128xf32, #tpu.memory_space<hbm>>
      tpu.wait_dma2 semaphore(%run_scoped3A : memref<!tpu.dma_semaphore, #tpu.memory_space<semaphore_mem>>) src(%arg12 : memref<40x128xf32, #tpu.memory_space<vmem>>) dst(%dma_wait3A_153 : memref<40x128xf32, #tpu.memory_space<hbm>>)
      tpu.yield
    }) : () -> ()
    %add3A_96 = arith.constant 360 : i32
    %add3A_97 = arith.addi %mul3A_2, %add3A_96 : i32
    %mul3A_98 = arith.constant 10240 : i32
    %mul3A_99 = arith.muli %arg0, %mul3A_98 : i32
    %add3A_100 = arith.addi %mul3A_99, %mul3A_2 : i32
    %add3A_101 = arith.constant 360 : i32
    %add3A_102 = arith.addi %add3A_100, %add3A_101 : i32
    "tpu.region"() ({
      %run_scoped3A = tpu.sem_alloc : memref<!tpu.dma_semaphore, #tpu.memory_space<semaphore_mem>>
      %dma_start3A_147 = arith.constant 0 : i32
      %dma_start3A_148 = tpu.memref_slice %arg21[%add3A_97, %dma_start3A_147] : memref<10240x128xf32, #tpu.memory_space<vmem_shared>> -> memref<40x128xf32, #tpu.memory_space<vmem_shared>>
      %dma_start3A_149 = arith.constant 0 : i32
      %dma_start3A_150 = tpu.memref_slice %arg21[%add3A_97, %dma_start3A_149] : memref<10240x128xf32, #tpu.memory_space<vmem_shared>> -> memref<40x128xf32, #tpu.memory_space<vmem_shared>>
      tpu.enqueue_dma source(%dma_start3A_150 : memref<40x128xf32, #tpu.memory_space<vmem_shared>>) target(%arg12 : memref<40x128xf32, #tpu.memory_space<vmem>>) target_semaphore(%run_scoped3A : memref<!tpu.dma_semaphore, #tpu.memory_space<semaphore_mem>>)
      %dma_wait3A = arith.constant 0 : i32
      %dma_wait3A_151 = tpu.memref_slice %arg21[%add3A_97, %dma_wait3A] : memref<10240x128xf32, #tpu.memory_space<vmem_shared>> -> memref<40x128xf32, #tpu.memory_space<vmem_shared>>
      %dma_wait3A_152 = arith.constant 0 : i32
      %dma_wait3A_153 = tpu.memref_slice %arg21[%add3A_97, %dma_wait3A_152] : memref<10240x128xf32, #tpu.memory_space<vmem_shared>> -> memref<40x128xf32, #tpu.memory_space<vmem_shared>>
      tpu.wait_dma2 semaphore(%run_scoped3A : memref<!tpu.dma_semaphore, #tpu.memory_space<semaphore_mem>>) src(%dma_wait3A_153 : memref<40x128xf32, #tpu.memory_space<vmem_shared>>) dst(%arg12 : memref<40x128xf32, #tpu.memory_space<vmem>>)
      tpu.yield
    }) : () -> ()
    "tpu.region"() ({
      %run_scoped3A = tpu.sem_alloc : memref<!tpu.dma_semaphore, #tpu.memory_space<semaphore_mem>>
      %dma_start3A_147 = arith.constant 0 : i32
      %dma_start3A_148 = tpu.memref_slice %arg8[%add3A_102, %dma_start3A_147] : memref<20480x128xf32, #tpu.memory_space<hbm>> -> memref<40x128xf32, #tpu.memory_space<hbm>>
      %dma_start3A_149 = arith.constant 0 : i32
      %dma_start3A_150 = tpu.memref_slice %arg8[%add3A_102, %dma_start3A_149] : memref<20480x128xf32, #tpu.memory_space<hbm>> -> memref<40x128xf32, #tpu.memory_space<hbm>>
      tpu.enqueue_dma source(%arg12 : memref<40x128xf32, #tpu.memory_space<vmem>>) target(%dma_start3A_150 : memref<40x128xf32, #tpu.memory_space<hbm>>) target_semaphore(%run_scoped3A : memref<!tpu.dma_semaphore, #tpu.memory_space<semaphore_mem>>)
      %dma_wait3A = arith.constant 0 : i32
      %dma_wait3A_151 = tpu.memref_slice %arg8[%add3A_102, %dma_wait3A] : memref<20480x128xf32, #tpu.memory_space<hbm>> -> memref<40x128xf32, #tpu.memory_space<hbm>>
      %dma_wait3A_152 = arith.constant 0 : i32
      %dma_wait3A_153 = tpu.memref_slice %arg8[%add3A_102, %dma_wait3A_152] : memref<20480x128xf32, #tpu.memory_space<hbm>> -> memref<40x128xf32, #tpu.memory_space<hbm>>
      tpu.wait_dma2 semaphore(%run_scoped3A : memref<!tpu.dma_semaphore, #tpu.memory_space<semaphore_mem>>) src(%arg12 : memref<40x128xf32, #tpu.memory_space<vmem>>) dst(%dma_wait3A_153 : memref<40x128xf32, #tpu.memory_space<hbm>>)
      tpu.yield
    }) : () -> ()
    %add3A_103 = arith.constant 400 : i32
    %add3A_104 = arith.addi %mul3A_2, %add3A_103 : i32
    %mul3A_105 = arith.constant 10240 : i32
    %mul3A_106 = arith.muli %arg0, %mul3A_105 : i32
    %add3A_107 = arith.addi %mul3A_106, %mul3A_2 : i32
    %add3A_108 = arith.constant 400 : i32
    %add3A_109 = arith.addi %add3A_107, %add3A_108 : i32
    "tpu.region"() ({
      %run_scoped3A = tpu.sem_alloc : memref<!tpu.dma_semaphore, #tpu.memory_space<semaphore_mem>>
      %dma_start3A_147 = arith.constant 0 : i32
      %dma_start3A_148 = tpu.memref_slice %arg21[%add3A_104, %dma_start3A_147] : memref<10240x128xf32, #tpu.memory_space<vmem_shared>> -> memref<40x128xf32, #tpu.memory_space<vmem_shared>>
      %dma_start3A_149 = arith.constant 0 : i32
      %dma_start3A_150 = tpu.memref_slice %arg21[%add3A_104, %dma_start3A_149] : memref<10240x128xf32, #tpu.memory_space<vmem_shared>> -> memref<40x128xf32, #tpu.memory_space<vmem_shared>>
      tpu.enqueue_dma source(%dma_start3A_150 : memref<40x128xf32, #tpu.memory_space<vmem_shared>>) target(%arg12 : memref<40x128xf32, #tpu.memory_space<vmem>>) target_semaphore(%run_scoped3A : memref<!tpu.dma_semaphore, #tpu.memory_space<semaphore_mem>>)
      %dma_wait3A = arith.constant 0 : i32
      %dma_wait3A_151 = tpu.memref_slice %arg21[%add3A_104, %dma_wait3A] : memref<10240x128xf32, #tpu.memory_space<vmem_shared>> -> memref<40x128xf32, #tpu.memory_space<vmem_shared>>
      %dma_wait3A_152 = arith.constant 0 : i32
      %dma_wait3A_153 = tpu.memref_slice %arg21[%add3A_104, %dma_wait3A_152] : memref<10240x128xf32, #tpu.memory_space<vmem_shared>> -> memref<40x128xf32, #tpu.memory_space<vmem_shared>>
      tpu.wait_dma2 semaphore(%run_scoped3A : memref<!tpu.dma_semaphore, #tpu.memory_space<semaphore_mem>>) src(%dma_wait3A_153 : memref<40x128xf32, #tpu.memory_space<vmem_shared>>) dst(%arg12 : memref<40x128xf32, #tpu.memory_space<vmem>>)
      tpu.yield
    }) : () -> ()
    "tpu.region"() ({
      %run_scoped3A = tpu.sem_alloc : memref<!tpu.dma_semaphore, #tpu.memory_space<semaphore_mem>>
      %dma_start3A_147 = arith.constant 0 : i32
      %dma_start3A_148 = tpu.memref_slice %arg8[%add3A_109, %dma_start3A_147] : memref<20480x128xf32, #tpu.memory_space<hbm>> -> memref<40x128xf32, #tpu.memory_space<hbm>>
      %dma_start3A_149 = arith.constant 0 : i32
      %dma_start3A_150 = tpu.memref_slice %arg8[%add3A_109, %dma_start3A_149] : memref<20480x128xf32, #tpu.memory_space<hbm>> -> memref<40x128xf32, #tpu.memory_space<hbm>>
      tpu.enqueue_dma source(%arg12 : memref<40x128xf32, #tpu.memory_space<vmem>>) target(%dma_start3A_150 : memref<40x128xf32, #tpu.memory_space<hbm>>) target_semaphore(%run_scoped3A : memref<!tpu.dma_semaphore, #tpu.memory_space<semaphore_mem>>)
      %dma_wait3A = arith.constant 0 : i32
      %dma_wait3A_151 = tpu.memref_slice %arg8[%add3A_109, %dma_wait3A] : memref<20480x128xf32, #tpu.memory_space<hbm>> -> memref<40x128xf32, #tpu.memory_space<hbm>>
      %dma_wait3A_152 = arith.constant 0 : i32
      %dma_wait3A_153 = tpu.memref_slice %arg8[%add3A_109, %dma_wait3A_152] : memref<20480x128xf32, #tpu.memory_space<hbm>> -> memref<40x128xf32, #tpu.memory_space<hbm>>
      tpu.wait_dma2 semaphore(%run_scoped3A : memref<!tpu.dma_semaphore, #tpu.memory_space<semaphore_mem>>) src(%arg12 : memref<40x128xf32, #tpu.memory_space<vmem>>) dst(%dma_wait3A_153 : memref<40x128xf32, #tpu.memory_space<hbm>>)
      tpu.yield
    }) : () -> ()
    %add3A_110 = arith.constant 440 : i32
    %add3A_111 = arith.addi %mul3A_2, %add3A_110 : i32
    %mul3A_112 = arith.constant 10240 : i32
    %mul3A_113 = arith.muli %arg0, %mul3A_112 : i32
    %add3A_114 = arith.addi %mul3A_113, %mul3A_2 : i32
    %add3A_115 = arith.constant 440 : i32
    %add3A_116 = arith.addi %add3A_114, %add3A_115 : i32
    "tpu.region"() ({
      %run_scoped3A = tpu.sem_alloc : memref<!tpu.dma_semaphore, #tpu.memory_space<semaphore_mem>>
      %dma_start3A_147 = arith.constant 0 : i32
      %dma_start3A_148 = tpu.memref_slice %arg21[%add3A_111, %dma_start3A_147] : memref<10240x128xf32, #tpu.memory_space<vmem_shared>> -> memref<40x128xf32, #tpu.memory_space<vmem_shared>>
      %dma_start3A_149 = arith.constant 0 : i32
      %dma_start3A_150 = tpu.memref_slice %arg21[%add3A_111, %dma_start3A_149] : memref<10240x128xf32, #tpu.memory_space<vmem_shared>> -> memref<40x128xf32, #tpu.memory_space<vmem_shared>>
      tpu.enqueue_dma source(%dma_start3A_150 : memref<40x128xf32, #tpu.memory_space<vmem_shared>>) target(%arg12 : memref<40x128xf32, #tpu.memory_space<vmem>>) target_semaphore(%run_scoped3A : memref<!tpu.dma_semaphore, #tpu.memory_space<semaphore_mem>>)
      %dma_wait3A = arith.constant 0 : i32
      %dma_wait3A_151 = tpu.memref_slice %arg21[%add3A_111, %dma_wait3A] : memref<10240x128xf32, #tpu.memory_space<vmem_shared>> -> memref<40x128xf32, #tpu.memory_space<vmem_shared>>
      %dma_wait3A_152 = arith.constant 0 : i32
      %dma_wait3A_153 = tpu.memref_slice %arg21[%add3A_111, %dma_wait3A_152] : memref<10240x128xf32, #tpu.memory_space<vmem_shared>> -> memref<40x128xf32, #tpu.memory_space<vmem_shared>>
      tpu.wait_dma2 semaphore(%run_scoped3A : memref<!tpu.dma_semaphore, #tpu.memory_space<semaphore_mem>>) src(%dma_wait3A_153 : memref<40x128xf32, #tpu.memory_space<vmem_shared>>) dst(%arg12 : memref<40x128xf32, #tpu.memory_space<vmem>>)
      tpu.yield
    }) : () -> ()
    "tpu.region"() ({
      %run_scoped3A = tpu.sem_alloc : memref<!tpu.dma_semaphore, #tpu.memory_space<semaphore_mem>>
      %dma_start3A_147 = arith.constant 0 : i32
      %dma_start3A_148 = tpu.memref_slice %arg8[%add3A_116, %dma_start3A_147] : memref<20480x128xf32, #tpu.memory_space<hbm>> -> memref<40x128xf32, #tpu.memory_space<hbm>>
      %dma_start3A_149 = arith.constant 0 : i32
      %dma_start3A_150 = tpu.memref_slice %arg8[%add3A_116, %dma_start3A_149] : memref<20480x128xf32, #tpu.memory_space<hbm>> -> memref<40x128xf32, #tpu.memory_space<hbm>>
      tpu.enqueue_dma source(%arg12 : memref<40x128xf32, #tpu.memory_space<vmem>>) target(%dma_start3A_150 : memref<40x128xf32, #tpu.memory_space<hbm>>) target_semaphore(%run_scoped3A : memref<!tpu.dma_semaphore, #tpu.memory_space<semaphore_mem>>)
      %dma_wait3A = arith.constant 0 : i32
      %dma_wait3A_151 = tpu.memref_slice %arg8[%add3A_116, %dma_wait3A] : memref<20480x128xf32, #tpu.memory_space<hbm>> -> memref<40x128xf32, #tpu.memory_space<hbm>>
      %dma_wait3A_152 = arith.constant 0 : i32
      %dma_wait3A_153 = tpu.memref_slice %arg8[%add3A_116, %dma_wait3A_152] : memref<20480x128xf32, #tpu.memory_space<hbm>> -> memref<40x128xf32, #tpu.memory_space<hbm>>
      tpu.wait_dma2 semaphore(%run_scoped3A : memref<!tpu.dma_semaphore, #tpu.memory_space<semaphore_mem>>) src(%arg12 : memref<40x128xf32, #tpu.memory_space<vmem>>) dst(%dma_wait3A_153 : memref<40x128xf32, #tpu.memory_space<hbm>>)
      tpu.yield
    }) : () -> ()
    %add3A_117 = arith.constant 480 : i32
    %add3A_118 = arith.addi %mul3A_2, %add3A_117 : i32
    %mul3A_119 = arith.constant 10240 : i32
    %mul3A_120 = arith.muli %arg0, %mul3A_119 : i32
    %add3A_121 = arith.addi %mul3A_120, %mul3A_2 : i32
    %add3A_122 = arith.constant 480 : i32
    %add3A_123 = arith.addi %add3A_121, %add3A_122 : i32
    "tpu.region"() ({
      %run_scoped3A = tpu.sem_alloc : memref<!tpu.dma_semaphore, #tpu.memory_space<semaphore_mem>>
      %dma_start3A_147 = arith.constant 0 : i32
      %dma_start3A_148 = tpu.memref_slice %arg21[%add3A_118, %dma_start3A_147] : memref<10240x128xf32, #tpu.memory_space<vmem_shared>> -> memref<40x128xf32, #tpu.memory_space<vmem_shared>>
      %dma_start3A_149 = arith.constant 0 : i32
      %dma_start3A_150 = tpu.memref_slice %arg21[%add3A_118, %dma_start3A_149] : memref<10240x128xf32, #tpu.memory_space<vmem_shared>> -> memref<40x128xf32, #tpu.memory_space<vmem_shared>>
      tpu.enqueue_dma source(%dma_start3A_150 : memref<40x128xf32, #tpu.memory_space<vmem_shared>>) target(%arg12 : memref<40x128xf32, #tpu.memory_space<vmem>>) target_semaphore(%run_scoped3A : memref<!tpu.dma_semaphore, #tpu.memory_space<semaphore_mem>>)
      %dma_wait3A = arith.constant 0 : i32
      %dma_wait3A_151 = tpu.memref_slice %arg21[%add3A_118, %dma_wait3A] : memref<10240x128xf32, #tpu.memory_space<vmem_shared>> -> memref<40x128xf32, #tpu.memory_space<vmem_shared>>
      %dma_wait3A_152 = arith.constant 0 : i32
      %dma_wait3A_153 = tpu.memref_slice %arg21[%add3A_118, %dma_wait3A_152] : memref<10240x128xf32, #tpu.memory_space<vmem_shared>> -> memref<40x128xf32, #tpu.memory_space<vmem_shared>>
      tpu.wait_dma2 semaphore(%run_scoped3A : memref<!tpu.dma_semaphore, #tpu.memory_space<semaphore_mem>>) src(%dma_wait3A_153 : memref<40x128xf32, #tpu.memory_space<vmem_shared>>) dst(%arg12 : memref<40x128xf32, #tpu.memory_space<vmem>>)
      tpu.yield
    }) : () -> ()
    "tpu.region"() ({
      %run_scoped3A = tpu.sem_alloc : memref<!tpu.dma_semaphore, #tpu.memory_space<semaphore_mem>>
      %dma_start3A_147 = arith.constant 0 : i32
      %dma_start3A_148 = tpu.memref_slice %arg8[%add3A_123, %dma_start3A_147] : memref<20480x128xf32, #tpu.memory_space<hbm>> -> memref<40x128xf32, #tpu.memory_space<hbm>>
      %dma_start3A_149 = arith.constant 0 : i32
      %dma_start3A_150 = tpu.memref_slice %arg8[%add3A_123, %dma_start3A_149] : memref<20480x128xf32, #tpu.memory_space<hbm>> -> memref<40x128xf32, #tpu.memory_space<hbm>>
      tpu.enqueue_dma source(%arg12 : memref<40x128xf32, #tpu.memory_space<vmem>>) target(%dma_start3A_150 : memref<40x128xf32, #tpu.memory_space<hbm>>) target_semaphore(%run_scoped3A : memref<!tpu.dma_semaphore, #tpu.memory_space<semaphore_mem>>)
      %dma_wait3A = arith.constant 0 : i32
      %dma_wait3A_151 = tpu.memref_slice %arg8[%add3A_123, %dma_wait3A] : memref<20480x128xf32, #tpu.memory_space<hbm>> -> memref<40x128xf32, #tpu.memory_space<hbm>>
      %dma_wait3A_152 = arith.constant 0 : i32
      %dma_wait3A_153 = tpu.memref_slice %arg8[%add3A_123, %dma_wait3A_152] : memref<20480x128xf32, #tpu.memory_space<hbm>> -> memref<40x128xf32, #tpu.memory_space<hbm>>
      tpu.wait_dma2 semaphore(%run_scoped3A : memref<!tpu.dma_semaphore, #tpu.memory_space<semaphore_mem>>) src(%arg12 : memref<40x128xf32, #tpu.memory_space<vmem>>) dst(%dma_wait3A_153 : memref<40x128xf32, #tpu.memory_space<hbm>>)
      tpu.yield
    }) : () -> ()
    %add3A_124 = arith.constant 520 : i32
    %add3A_125 = arith.addi %mul3A_2, %add3A_124 : i32
    %mul3A_126 = arith.constant 10240 : i32
    %mul3A_127 = arith.muli %arg0, %mul3A_126 : i32
    %add3A_128 = arith.addi %mul3A_127, %mul3A_2 : i32
    %add3A_129 = arith.constant 520 : i32
    %add3A_130 = arith.addi %add3A_128, %add3A_129 : i32
    "tpu.region"() ({
      %run_scoped3A = tpu.sem_alloc : memref<!tpu.dma_semaphore, #tpu.memory_space<semaphore_mem>>
      %dma_start3A_147 = arith.constant 0 : i32
      %dma_start3A_148 = tpu.memref_slice %arg21[%add3A_125, %dma_start3A_147] : memref<10240x128xf32, #tpu.memory_space<vmem_shared>> -> memref<40x128xf32, #tpu.memory_space<vmem_shared>>
      %dma_start3A_149 = arith.constant 0 : i32
      %dma_start3A_150 = tpu.memref_slice %arg21[%add3A_125, %dma_start3A_149] : memref<10240x128xf32, #tpu.memory_space<vmem_shared>> -> memref<40x128xf32, #tpu.memory_space<vmem_shared>>
      tpu.enqueue_dma source(%dma_start3A_150 : memref<40x128xf32, #tpu.memory_space<vmem_shared>>) target(%arg12 : memref<40x128xf32, #tpu.memory_space<vmem>>) target_semaphore(%run_scoped3A : memref<!tpu.dma_semaphore, #tpu.memory_space<semaphore_mem>>)
      %dma_wait3A = arith.constant 0 : i32
      %dma_wait3A_151 = tpu.memref_slice %arg21[%add3A_125, %dma_wait3A] : memref<10240x128xf32, #tpu.memory_space<vmem_shared>> -> memref<40x128xf32, #tpu.memory_space<vmem_shared>>
      %dma_wait3A_152 = arith.constant 0 : i32
      %dma_wait3A_153 = tpu.memref_slice %arg21[%add3A_125, %dma_wait3A_152] : memref<10240x128xf32, #tpu.memory_space<vmem_shared>> -> memref<40x128xf32, #tpu.memory_space<vmem_shared>>
      tpu.wait_dma2 semaphore(%run_scoped3A : memref<!tpu.dma_semaphore, #tpu.memory_space<semaphore_mem>>) src(%dma_wait3A_153 : memref<40x128xf32, #tpu.memory_space<vmem_shared>>) dst(%arg12 : memref<40x128xf32, #tpu.memory_space<vmem>>)
      tpu.yield
    }) : () -> ()
    "tpu.region"() ({
      %run_scoped3A = tpu.sem_alloc : memref<!tpu.dma_semaphore, #tpu.memory_space<semaphore_mem>>
      %dma_start3A_147 = arith.constant 0 : i32
      %dma_start3A_148 = tpu.memref_slice %arg8[%add3A_130, %dma_start3A_147] : memref<20480x128xf32, #tpu.memory_space<hbm>> -> memref<40x128xf32, #tpu.memory_space<hbm>>
      %dma_start3A_149 = arith.constant 0 : i32
      %dma_start3A_150 = tpu.memref_slice %arg8[%add3A_130, %dma_start3A_149] : memref<20480x128xf32, #tpu.memory_space<hbm>> -> memref<40x128xf32, #tpu.memory_space<hbm>>
      tpu.enqueue_dma source(%arg12 : memref<40x128xf32, #tpu.memory_space<vmem>>) target(%dma_start3A_150 : memref<40x128xf32, #tpu.memory_space<hbm>>) target_semaphore(%run_scoped3A : memref<!tpu.dma_semaphore, #tpu.memory_space<semaphore_mem>>)
      %dma_wait3A = arith.constant 0 : i32
      %dma_wait3A_151 = tpu.memref_slice %arg8[%add3A_130, %dma_wait3A] : memref<20480x128xf32, #tpu.memory_space<hbm>> -> memref<40x128xf32, #tpu.memory_space<hbm>>
      %dma_wait3A_152 = arith.constant 0 : i32
      %dma_wait3A_153 = tpu.memref_slice %arg8[%add3A_130, %dma_wait3A_152] : memref<20480x128xf32, #tpu.memory_space<hbm>> -> memref<40x128xf32, #tpu.memory_space<hbm>>
      tpu.wait_dma2 semaphore(%run_scoped3A : memref<!tpu.dma_semaphore, #tpu.memory_space<semaphore_mem>>) src(%arg12 : memref<40x128xf32, #tpu.memory_space<vmem>>) dst(%dma_wait3A_153 : memref<40x128xf32, #tpu.memory_space<hbm>>)
      tpu.yield
    }) : () -> ()
    %add3A_131 = arith.constant 560 : i32
    %add3A_132 = arith.addi %mul3A_2, %add3A_131 : i32
    %mul3A_133 = arith.constant 10240 : i32
    %mul3A_134 = arith.muli %arg0, %mul3A_133 : i32
    %add3A_135 = arith.addi %mul3A_134, %mul3A_2 : i32
    %add3A_136 = arith.constant 560 : i32
    %add3A_137 = arith.addi %add3A_135, %add3A_136 : i32
    "tpu.region"() ({
      %run_scoped3A = tpu.sem_alloc : memref<!tpu.dma_semaphore, #tpu.memory_space<semaphore_mem>>
      %dma_start3A_147 = arith.constant 0 : i32
      %dma_start3A_148 = tpu.memref_slice %arg21[%add3A_132, %dma_start3A_147] : memref<10240x128xf32, #tpu.memory_space<vmem_shared>> -> memref<40x128xf32, #tpu.memory_space<vmem_shared>>
      %dma_start3A_149 = arith.constant 0 : i32
      %dma_start3A_150 = tpu.memref_slice %arg21[%add3A_132, %dma_start3A_149] : memref<10240x128xf32, #tpu.memory_space<vmem_shared>> -> memref<40x128xf32, #tpu.memory_space<vmem_shared>>
      tpu.enqueue_dma source(%dma_start3A_150 : memref<40x128xf32, #tpu.memory_space<vmem_shared>>) target(%arg12 : memref<40x128xf32, #tpu.memory_space<vmem>>) target_semaphore(%run_scoped3A : memref<!tpu.dma_semaphore, #tpu.memory_space<semaphore_mem>>)
      %dma_wait3A = arith.constant 0 : i32
      %dma_wait3A_151 = tpu.memref_slice %arg21[%add3A_132, %dma_wait3A] : memref<10240x128xf32, #tpu.memory_space<vmem_shared>> -> memref<40x128xf32, #tpu.memory_space<vmem_shared>>
      %dma_wait3A_152 = arith.constant 0 : i32
      %dma_wait3A_153 = tpu.memref_slice %arg21[%add3A_132, %dma_wait3A_152] : memref<10240x128xf32, #tpu.memory_space<vmem_shared>> -> memref<40x128xf32, #tpu.memory_space<vmem_shared>>
      tpu.wait_dma2 semaphore(%run_scoped3A : memref<!tpu.dma_semaphore, #tpu.memory_space<semaphore_mem>>) src(%dma_wait3A_153 : memref<40x128xf32, #tpu.memory_space<vmem_shared>>) dst(%arg12 : memref<40x128xf32, #tpu.memory_space<vmem>>)
      tpu.yield
    }) : () -> ()
    "tpu.region"() ({
      %run_scoped3A = tpu.sem_alloc : memref<!tpu.dma_semaphore, #tpu.memory_space<semaphore_mem>>
      %dma_start3A_147 = arith.constant 0 : i32
      %dma_start3A_148 = tpu.memref_slice %arg8[%add3A_137, %dma_start3A_147] : memref<20480x128xf32, #tpu.memory_space<hbm>> -> memref<40x128xf32, #tpu.memory_space<hbm>>
      %dma_start3A_149 = arith.constant 0 : i32
      %dma_start3A_150 = tpu.memref_slice %arg8[%add3A_137, %dma_start3A_149] : memref<20480x128xf32, #tpu.memory_space<hbm>> -> memref<40x128xf32, #tpu.memory_space<hbm>>
      tpu.enqueue_dma source(%arg12 : memref<40x128xf32, #tpu.memory_space<vmem>>) target(%dma_start3A_150 : memref<40x128xf32, #tpu.memory_space<hbm>>) target_semaphore(%run_scoped3A : memref<!tpu.dma_semaphore, #tpu.memory_space<semaphore_mem>>)
      %dma_wait3A = arith.constant 0 : i32
      %dma_wait3A_151 = tpu.memref_slice %arg8[%add3A_137, %dma_wait3A] : memref<20480x128xf32, #tpu.memory_space<hbm>> -> memref<40x128xf32, #tpu.memory_space<hbm>>
      %dma_wait3A_152 = arith.constant 0 : i32
      %dma_wait3A_153 = tpu.memref_slice %arg8[%add3A_137, %dma_wait3A_152] : memref<20480x128xf32, #tpu.memory_space<hbm>> -> memref<40x128xf32, #tpu.memory_space<hbm>>
      tpu.wait_dma2 semaphore(%run_scoped3A : memref<!tpu.dma_semaphore, #tpu.memory_space<semaphore_mem>>) src(%arg12 : memref<40x128xf32, #tpu.memory_space<vmem>>) dst(%dma_wait3A_153 : memref<40x128xf32, #tpu.memory_space<hbm>>)
      tpu.yield
    }) : () -> ()
    %add3A_138 = arith.constant 600 : i32
    %add3A_139 = arith.addi %mul3A_2, %add3A_138 : i32
    %mul3A_140 = arith.constant 10240 : i32
    %mul3A_141 = arith.muli %arg0, %mul3A_140 : i32
    %add3A_142 = arith.addi %mul3A_141, %mul3A_2 : i32
    %add3A_143 = arith.constant 600 : i32
    %add3A_144 = arith.addi %add3A_142, %add3A_143 : i32
    "tpu.region"() ({
      %run_scoped3A = tpu.sem_alloc : memref<!tpu.dma_semaphore, #tpu.memory_space<semaphore_mem>>
      %dma_start3A_147 = arith.constant 0 : i32
      %dma_start3A_148 = tpu.memref_slice %arg21[%add3A_139, %dma_start3A_147] : memref<10240x128xf32, #tpu.memory_space<vmem_shared>> -> memref<40x128xf32, #tpu.memory_space<vmem_shared>>
      %dma_start3A_149 = arith.constant 0 : i32
      %dma_start3A_150 = tpu.memref_slice %arg21[%add3A_139, %dma_start3A_149] : memref<10240x128xf32, #tpu.memory_space<vmem_shared>> -> memref<40x128xf32, #tpu.memory_space<vmem_shared>>
      tpu.enqueue_dma source(%dma_start3A_150 : memref<40x128xf32, #tpu.memory_space<vmem_shared>>) target(%arg12 : memref<40x128xf32, #tpu.memory_space<vmem>>) target_semaphore(%run_scoped3A : memref<!tpu.dma_semaphore, #tpu.memory_space<semaphore_mem>>)
      %dma_wait3A = arith.constant 0 : i32
      %dma_wait3A_151 = tpu.memref_slice %arg21[%add3A_139, %dma_wait3A] : memref<10240x128xf32, #tpu.memory_space<vmem_shared>> -> memref<40x128xf32, #tpu.memory_space<vmem_shared>>
      %dma_wait3A_152 = arith.constant 0 : i32
      %dma_wait3A_153 = tpu.memref_slice %arg21[%add3A_139, %dma_wait3A_152] : memref<10240x128xf32, #tpu.memory_space<vmem_shared>> -> memref<40x128xf32, #tpu.memory_space<vmem_shared>>
      tpu.wait_dma2 semaphore(%run_scoped3A : memref<!tpu.dma_semaphore, #tpu.memory_space<semaphore_mem>>) src(%dma_wait3A_153 : memref<40x128xf32, #tpu.memory_space<vmem_shared>>) dst(%arg12 : memref<40x128xf32, #tpu.memory_space<vmem>>)
      tpu.yield
    }) : () -> ()
    "tpu.region"() ({
      %run_scoped3A = tpu.sem_alloc : memref<!tpu.dma_semaphore, #tpu.memory_space<semaphore_mem>>
      %dma_start3A_147 = arith.constant 0 : i32
      %dma_start3A_148 = tpu.memref_slice %arg8[%add3A_144, %dma_start3A_147] : memref<20480x128xf32, #tpu.memory_space<hbm>> -> memref<40x128xf32, #tpu.memory_space<hbm>>
      %dma_start3A_149 = arith.constant 0 : i32
      %dma_start3A_150 = tpu.memref_slice %arg8[%add3A_144, %dma_start3A_149] : memref<20480x128xf32, #tpu.memory_space<hbm>> -> memref<40x128xf32, #tpu.memory_space<hbm>>
      tpu.enqueue_dma source(%arg12 : memref<40x128xf32, #tpu.memory_space<vmem>>) target(%dma_start3A_150 : memref<40x128xf32, #tpu.memory_space<hbm>>) target_semaphore(%run_scoped3A : memref<!tpu.dma_semaphore, #tpu.memory_space<semaphore_mem>>)
      %dma_wait3A = arith.constant 0 : i32
      %dma_wait3A_151 = tpu.memref_slice %arg8[%add3A_144, %dma_wait3A] : memref<20480x128xf32, #tpu.memory_space<hbm>> -> memref<40x128xf32, #tpu.memory_space<hbm>>
      %dma_wait3A_152 = arith.constant 0 : i32
      %dma_wait3A_153 = tpu.memref_slice %arg8[%add3A_144, %dma_wait3A_152] : memref<20480x128xf32, #tpu.memory_space<hbm>> -> memref<40x128xf32, #tpu.memory_space<hbm>>
      tpu.wait_dma2 semaphore(%run_scoped3A : memref<!tpu.dma_semaphore, #tpu.memory_space<semaphore_mem>>) src(%arg12 : memref<40x128xf32, #tpu.memory_space<vmem>>) dst(%dma_wait3A_153 : memref<40x128xf32, #tpu.memory_space<hbm>>)
      tpu.yield
    }) : () -> ()
    %mul3A_145 = arith.constant 10240 : i32
    %mul3A_146 = arith.muli %add3A, %mul3A_145 : i32
    "tpu.region"() ({
      %run_scoped3A = tpu.sem_alloc : memref<!tpu.dma_semaphore, #tpu.memory_space<semaphore_mem>>
      %dma_start3A_147 = tpu.memref_slice %arg9[%mul3A_146] : memref<327680xf32, #tpu.memory_space<hbm>> -> memref<10240xf32, #tpu.memory_space<hbm>>
      %dma_start3A_148 = tpu.memref_slice %arg9[%mul3A_146] : memref<327680xf32, #tpu.memory_space<hbm>> -> memref<10240xf32, #tpu.memory_space<hbm>>
      tpu.enqueue_dma source(%arg20 : memref<10240xf32, #tpu.memory_space<vmem>>) target(%dma_start3A_148 : memref<10240xf32, #tpu.memory_space<hbm>>) target_semaphore(%run_scoped3A : memref<!tpu.dma_semaphore, #tpu.memory_space<semaphore_mem>>)
      %dma_wait3A = tpu.memref_slice %arg9[%mul3A_146] : memref<327680xf32, #tpu.memory_space<hbm>> -> memref<10240xf32, #tpu.memory_space<hbm>>
      %dma_wait3A_149 = tpu.memref_slice %arg9[%mul3A_146] : memref<327680xf32, #tpu.memory_space<hbm>> -> memref<10240xf32, #tpu.memory_space<hbm>>
      tpu.wait_dma2 semaphore(%run_scoped3A : memref<!tpu.dma_semaphore, #tpu.memory_space<semaphore_mem>>) src(%arg20 : memref<10240xf32, #tpu.memory_space<vmem>>) dst(%dma_wait3A_149 : memref<10240xf32, #tpu.memory_space<hbm>>)
      tpu.yield
    }) : () -> ()
    return
  }
}

module attributes {stable_mosaic.version = 14 : i64} {
  func.func @_proj_body(%arg0: i32, %arg1: memref<200x128xf32, #tpu.memory_space<vmem>>, %arg2: memref<6400x16xf32, #tpu.memory_space<vmem>>, %arg3: memref<128x128xf32, #tpu.memory_space<vmem>>, %arg4: memref<128x128xf32, #tpu.memory_space<vmem>>, %arg5: memref<16x128xf32, #tpu.memory_space<vmem>>, %arg6: memref<1x128xf32, #tpu.memory_space<vmem>>, %arg7: memref<200x128xf32, #tpu.memory_space<vmem>>, %arg8: memref<200x128xf32, #tpu.memory_space<vmem>>, %arg9: memref<6400x128xf32, #tpu.memory_space<vmem>>) attributes {dimension_semantics = [#tpu.dimension_semantics<arbitrary>], iteration_bounds = array<i64: 50>, scalar_prefetch = 0 : i64, scratch_operands = 0 : i64, tpu.core_type = #tpu.core_type<tc>, window_params = [{transform_indices = @transform_0, window_bounds = array<i64: 200, 128>}, {transform_indices = @transform_1, window_bounds = array<i64: 6400, 16>}, {pipeline_mode = #tpu.pipeline_mode<synchronous>, transform_indices = @transform_2, window_bounds = array<i64: 128, 128>}, {pipeline_mode = #tpu.pipeline_mode<synchronous>, transform_indices = @transform_3, window_bounds = array<i64: 128, 128>}, {pipeline_mode = #tpu.pipeline_mode<synchronous>, transform_indices = @transform_4, window_bounds = array<i64: 16, 128>}, {pipeline_mode = #tpu.pipeline_mode<synchronous>, transform_indices = @transform_5, window_bounds = array<i64: 1, 128>}, {transform_indices = @transform_6, window_bounds = array<i64: 200, 128>}, {transform_indices = @transform_7, window_bounds = array<i64: 200, 128>}, {transform_indices = @transform_8, window_bounds = array<i64: 6400, 128>}]} {
    %get3A = arith.constant 0 : index
    %get3A_0 = arith.constant 0 : index
    %get3A_1 = vector.load %arg1[%get3A, %get3A_0] : memref<200x128xf32, #tpu.memory_space<vmem>>, vector<200x128xf32>
    %get3A_2 = arith.constant 0 : index
    %get3A_3 = arith.constant 0 : index
    %get3A_4 = vector.load %arg3[%get3A_2, %get3A_3] : memref<128x128xf32, #tpu.memory_space<vmem>>, vector<128x128xf32>
    %dot_general3A = arith.constant dense<0.000000e+00> : vector<200x128xf32>
    %dot_general3A_5 = tpu.matmul %get3A_1, %get3A_4, %dot_general3A {dimension_numbers = #tpu.dot_dimension_numbers<[1], [0], [0], [1], [0, 0, 1, 1], [], []>, transpose_lhs_hint = false} : vector<200x128xf32>, vector<128x128xf32>, vector<200x128xf32> -> vector<200x128xf32>
    %swap3A = arith.constant 0 : index
    %swap3A_6 = arith.constant 0 : index
    %swap3A_7 = vector.load %arg7[%swap3A, %swap3A_6] : memref<200x128xf32, #tpu.memory_space<vmem>>, vector<200x128xf32>
    tpu.vector_store %arg7[%swap3A, %swap3A_6], %dot_general3A_5 {strides = array<i32>} : memref<200x128xf32, #tpu.memory_space<vmem>>, vector<200x128xf32>,
    %get3A_8 = arith.constant 0 : index
    %get3A_9 = arith.constant 0 : index
    %get3A_10 = vector.load %arg4[%get3A_8, %get3A_9] : memref<128x128xf32, #tpu.memory_space<vmem>>, vector<128x128xf32>
    %dot_general3A_11 = arith.constant dense<0.000000e+00> : vector<200x128xf32>
    %dot_general3A_12 = tpu.matmul %get3A_1, %get3A_10, %dot_general3A_11 {dimension_numbers = #tpu.dot_dimension_numbers<[1], [0], [0], [1], [0, 0, 1, 1], [], []>, transpose_lhs_hint = false} : vector<200x128xf32>, vector<128x128xf32>, vector<200x128xf32> -> vector<200x128xf32>
    %get3A_13 = arith.constant 0 : index
    %get3A_14 = arith.constant 0 : index
    %get3A_15 = vector.load %arg6[%get3A_13, %get3A_14] : memref<1x128xf32, #tpu.memory_space<vmem>>, vector<1x128xf32>
    %add3A = vector.broadcast %get3A_15 : vector<1x128xf32> to vector<200x128xf32>
    %add3A_16 = arith.addf %dot_general3A_12, %add3A : vector<200x128xf32>
    %swap3A_17 = arith.constant 0 : index
    %swap3A_18 = arith.constant 0 : index
    %swap3A_19 = vector.load %arg8[%swap3A_17, %swap3A_18] : memref<200x128xf32, #tpu.memory_space<vmem>>, vector<200x128xf32>
    tpu.vector_store %arg8[%swap3A_17, %swap3A_18], %add3A_16 {strides = array<i32>} : memref<200x128xf32, #tpu.memory_space<vmem>>, vector<200x128xf32>,
    %get3A_20 = arith.constant 0 : index
    %get3A_21 = arith.constant 0 : index
    %get3A_22 = vector.load %arg2[%get3A_20, %get3A_21] : memref<6400x16xf32, #tpu.memory_space<vmem>>, vector<6400x16xf32>
    %get3A_23 = arith.constant 0 : index
    %get3A_24 = arith.constant 0 : index
    %get3A_25 = vector.load %arg5[%get3A_23, %get3A_24] : memref<16x128xf32, #tpu.memory_space<vmem>>, vector<16x128xf32>
    %dot_general3A_26 = arith.constant dense<0.000000e+00> : vector<6400x128xf32>
    %dot_general3A_27 = tpu.matmul %get3A_22, %get3A_25, %dot_general3A_26 {dimension_numbers = #tpu.dot_dimension_numbers<[1], [0], [0], [1], [0, 0, 1, 1], [], []>, transpose_lhs_hint = false} : vector<6400x16xf32>, vector<16x128xf32>, vector<6400x128xf32> -> vector<6400x128xf32>
    %swap3A_28 = arith.constant 0 : index
    %swap3A_29 = arith.constant 0 : index
    %swap3A_30 = vector.load %arg9[%swap3A_28, %swap3A_29] : memref<6400x128xf32, #tpu.memory_space<vmem>>, vector<6400x128xf32>
    tpu.vector_store %arg9[%swap3A_28, %swap3A_29], %dot_general3A_27 {strides = array<i32>} : memref<6400x128xf32, #tpu.memory_space<vmem>>, vector<6400x128xf32>,
    return
  }
  func.func @transform_0(%arg0: i32) -> (i32, i32) {
    %c0_i32 = arith.constant 0 : i32
    %c0_i32_0 = arith.constant 0 : i32
    return %arg0, %c0_i32 : i32, i32
  }
  func.func @transform_1(%arg0: i32) -> (i32, i32) {
    %c0_i32 = arith.constant 0 : i32
    %c0_i32_0 = arith.constant 0 : i32
    return %arg0, %c0_i32 : i32, i32
  }
  func.func @transform_2(%arg0: i32) -> (i32, i32) {
    %c0_i32 = arith.constant 0 : i32
    %c0_i32_0 = arith.constant 0 : i32
    %c0_i32_1 = arith.constant 0 : i32
    return %c0_i32, %c0_i32_0 : i32, i32
  }
  func.func @transform_3(%arg0: i32) -> (i32, i32) {
    %c0_i32 = arith.constant 0 : i32
    %c0_i32_0 = arith.constant 0 : i32
    %c0_i32_1 = arith.constant 0 : i32
    return %c0_i32, %c0_i32_0 : i32, i32
  }
  func.func @transform_4(%arg0: i32) -> (i32, i32) {
    %c0_i32 = arith.constant 0 : i32
    %c0_i32_0 = arith.constant 0 : i32
    %c0_i32_1 = arith.constant 0 : i32
    return %c0_i32, %c0_i32_0 : i32, i32
  }
  func.func @transform_5(%arg0: i32) -> (i32, i32) {
    %c0_i32 = arith.constant 0 : i32
    %c0_i32_0 = arith.constant 0 : i32
    %c0_i32_1 = arith.constant 0 : i32
    return %c0_i32, %c0_i32_0 : i32, i32
  }
  func.func @transform_6(%arg0: i32) -> (i32, i32) {
    %c0_i32 = arith.constant 0 : i32
    %c0_i32_0 = arith.constant 0 : i32
    return %arg0, %c0_i32 : i32, i32
  }
  func.func @transform_7(%arg0: i32) -> (i32, i32) {
    %c0_i32 = arith.constant 0 : i32
    %c0_i32_0 = arith.constant 0 : i32
    return %arg0, %c0_i32 : i32, i32
  }
  func.func @transform_8(%arg0: i32) -> (i32, i32) {
    %c0_i32 = arith.constant 0 : i32
    %c0_i32_0 = arith.constant 0 : i32
    return %arg0, %c0_i32 : i32, i32
  }
}

module attributes {stable_mosaic.version = 14 : i64} {
  func.func @_update_body(%arg0: i32, %arg1: memref<2x2048x128xf32, #tpu.memory_space<vmem>>, %arg2: memref<32x2048xf32, #tpu.memory_space<vmem>>, %arg3: memref<2048x128xf32, #tpu.memory_space<vmem>>, %arg4: memref<128x128xf32, #tpu.memory_space<vmem>>, %arg5: memref<1x128xf32, #tpu.memory_space<vmem>>, %arg6: memref<128x128xf32, #tpu.memory_space<vmem>>, %arg7: memref<128x128xf32, #tpu.memory_space<vmem>>, %arg8: memref<1x128xf32, #tpu.memory_space<vmem>>, %arg9: memref<128x128xf32, #tpu.memory_space<vmem>>, %arg10: memref<1x128xf32, #tpu.memory_space<vmem>>, %arg11: memref<1x128xf32, #tpu.memory_space<vmem>>, %arg12: memref<1x128xf32, #tpu.memory_space<vmem>>, %arg13: memref<2048x128xf32, #tpu.memory_space<vmem>>) attributes {dimension_semantics = [#tpu.dimension_semantics<arbitrary>], iteration_bounds = array<i64: 5>, scalar_prefetch = 0 : i64, scratch_operands = 0 : i64, tpu.core_type = #tpu.core_type<tc>, window_params = [{transform_indices = @transform_0, window_bounds = array<i64: 2, 2048, 128>}, {transform_indices = @transform_1, window_bounds = array<i64: 32, 2048>}, {transform_indices = @transform_2, window_bounds = array<i64: 2048, 128>}, {pipeline_mode = #tpu.pipeline_mode<synchronous>, transform_indices = @transform_3, window_bounds = array<i64: 128, 128>}, {pipeline_mode = #tpu.pipeline_mode<synchronous>, transform_indices = @transform_4, window_bounds = array<i64: 1, 128>}, {pipeline_mode = #tpu.pipeline_mode<synchronous>, transform_indices = @transform_5, window_bounds = array<i64: 128, 128>}, {pipeline_mode = #tpu.pipeline_mode<synchronous>, transform_indices = @transform_6, window_bounds = array<i64: 128, 128>}, {pipeline_mode = #tpu.pipeline_mode<synchronous>, transform_indices = @transform_7, window_bounds = array<i64: 1, 128>}, {pipeline_mode = #tpu.pipeline_mode<synchronous>, transform_indices = @transform_8, window_bounds = array<i64: 128, 128>}, {pipeline_mode = #tpu.pipeline_mode<synchronous>, transform_indices = @transform_9, window_bounds = array<i64: 1, 128>}, {pipeline_mode = #tpu.pipeline_mode<synchronous>, transform_indices = @transform_10, window_bounds = array<i64: 1, 128>}, {pipeline_mode = #tpu.pipeline_mode<synchronous>, transform_indices = @transform_11, window_bounds = array<i64: 1, 128>}, {transform_indices = @transform_12, window_bounds = array<i64: 2048, 128>}]} {
    %get3A = arith.constant 0 : index
    %get3A_0 = arith.constant 0 : index
    %get3A_1 = arith.constant 0 : index
    %get3A_2 = vector.load %arg1[%get3A, %get3A_0, %get3A_1] : memref<2x2048x128xf32, #tpu.memory_space<vmem>>, vector<1x2048x128xf32>
    %get3A_3 = vector.shape_cast %get3A_2 : vector<1x2048x128xf32> to vector<2048x128xf32>
    %get3A_4 = arith.constant 1 : index
    %get3A_5 = arith.constant 0 : index
    %get3A_6 = arith.constant 0 : index
    %get3A_7 = vector.load %arg1[%get3A_4, %get3A_5, %get3A_6] : memref<2x2048x128xf32, #tpu.memory_space<vmem>>, vector<1x2048x128xf32>
    %get3A_8 = vector.shape_cast %get3A_7 : vector<1x2048x128xf32> to vector<2048x128xf32>
    %add3A = arith.addf %get3A_3, %get3A_8 : vector<2048x128xf32>
    %get3A_9 = arith.constant 0 : index
    %get3A_10 = arith.constant 0 : index
    %get3A_11 = vector.load %arg2[%get3A_9, %get3A_10] : memref<32x2048xf32, #tpu.memory_space<vmem>>, vector<32x2048xf32>
    %reduce_sum3A = arith.constant dense<0.000000e+00> : vector<2048xf32>
    %reduce_sum3A_12 = vector.multi_reduction <add>, %get3A_11, %reduce_sum3A [0] : vector<32x2048xf32> to vector<2048xf32>
    %broadcast_in_dim3A = vector.shape_cast %reduce_sum3A_12 : vector<2048xf32> to vector<2048x1xf32>
    %get3A_13 = arith.constant 0 : index
    %get3A_14 = arith.constant 0 : index
    %get3A_15 = vector.load %arg4[%get3A_13, %get3A_14] : memref<128x128xf32, #tpu.memory_space<vmem>>, vector<128x128xf32>
    %dot_general3A = arith.constant dense<0.000000e+00> : vector<2048x128xf32>
    %dot_general3A_16 = tpu.matmul %add3A, %get3A_15, %dot_general3A {dimension_numbers = #tpu.dot_dimension_numbers<[1], [0], [0], [1], [0, 0, 1, 1], [], []>, transpose_lhs_hint = false} : vector<2048x128xf32>, vector<128x128xf32>, vector<2048x128xf32> -> vector<2048x128xf32>
    %get3A_17 = arith.constant 0 : index
    %get3A_18 = arith.constant 0 : index
    %get3A_19 = vector.load %arg5[%get3A_17, %get3A_18] : memref<1x128xf32, #tpu.memory_space<vmem>>, vector<1x128xf32>
    %mul3A = vector.broadcast %broadcast_in_dim3A : vector<2048x1xf32> to vector<2048x128xf32>
    %mul3A_20 = vector.broadcast %get3A_19 : vector<1x128xf32> to vector<2048x128xf32>
    %mul3A_21 = arith.mulf %mul3A, %mul3A_20 : vector<2048x128xf32>
    %add3A_22 = arith.addf %dot_general3A_16, %mul3A_21 : vector<2048x128xf32>
    %max3A = arith.constant 1.000000e+00 : f32
    %max3A_23 = vector.broadcast %max3A : f32 to vector<2048x1xf32>
    %max3A_24 = arith.maximumf %broadcast_in_dim3A, %max3A_23 : vector<2048x1xf32>
    %div3A = vector.broadcast %max3A_24 : vector<2048x1xf32> to vector<2048x128xf32>
    %div3A_25 = arith.divf %add3A_22, %div3A : vector<2048x128xf32>
    %get3A_26 = arith.constant 0 : index
    %get3A_27 = arith.constant 0 : index
    %get3A_28 = vector.load %arg3[%get3A_26, %get3A_27] : memref<2048x128xf32, #tpu.memory_space<vmem>>, vector<2048x128xf32>
    %get3A_29 = arith.constant 0 : index
    %get3A_30 = arith.constant 0 : index
    %get3A_31 = vector.load %arg6[%get3A_29, %get3A_30] : memref<128x128xf32, #tpu.memory_space<vmem>>, vector<128x128xf32>
    %dot_general3A_32 = arith.constant dense<0.000000e+00> : vector<2048x128xf32>
    %dot_general3A_33 = tpu.matmul %get3A_28, %get3A_31, %dot_general3A_32 {dimension_numbers = #tpu.dot_dimension_numbers<[1], [0], [0], [1], [0, 0, 1, 1], [], []>, transpose_lhs_hint = false} : vector<2048x128xf32>, vector<128x128xf32>, vector<2048x128xf32> -> vector<2048x128xf32>
    %get3A_34 = arith.constant 0 : index
    %get3A_35 = arith.constant 0 : index
    %get3A_36 = vector.load %arg7[%get3A_34, %get3A_35] : memref<128x128xf32, #tpu.memory_space<vmem>>, vector<128x128xf32>
    %dot_general3A_37 = arith.constant dense<0.000000e+00> : vector<2048x128xf32>
    %dot_general3A_38 = tpu.matmul %div3A_25, %get3A_36, %dot_general3A_37 {dimension_numbers = #tpu.dot_dimension_numbers<[1], [0], [0], [1], [0, 0, 1, 1], [], []>, transpose_lhs_hint = false} : vector<2048x128xf32>, vector<128x128xf32>, vector<2048x128xf32> -> vector<2048x128xf32>
    %add3A_39 = arith.addf %dot_general3A_33, %dot_general3A_38 : vector<2048x128xf32>
    %get3A_40 = arith.constant 0 : index
    %get3A_41 = arith.constant 0 : index
    %get3A_42 = vector.load %arg8[%get3A_40, %get3A_41] : memref<1x128xf32, #tpu.memory_space<vmem>>, vector<1x128xf32>
    %add3A_43 = vector.broadcast %get3A_42 : vector<1x128xf32> to vector<2048x128xf32>
    %add3A_44 = arith.addf %add3A_39, %add3A_43 : vector<2048x128xf32>
    %max3A_45 = arith.constant 0.000000e+00 : f32
    %max3A_46 = vector.broadcast %max3A_45 : f32 to vector<2048x128xf32>
    %max3A_47 = arith.maximumf %add3A_44, %max3A_46 : vector<2048x128xf32>
    %get3A_48 = arith.constant 0 : index
    %get3A_49 = arith.constant 0 : index
    %get3A_50 = vector.load %arg9[%get3A_48, %get3A_49] : memref<128x128xf32, #tpu.memory_space<vmem>>, vector<128x128xf32>
    %dot_general3A_51 = arith.constant dense<0.000000e+00> : vector<2048x128xf32>
    %dot_general3A_52 = tpu.matmul %max3A_47, %get3A_50, %dot_general3A_51 {dimension_numbers = #tpu.dot_dimension_numbers<[1], [0], [0], [1], [0, 0, 1, 1], [], []>, transpose_lhs_hint = false} : vector<2048x128xf32>, vector<128x128xf32>, vector<2048x128xf32> -> vector<2048x128xf32>
    %get3A_53 = arith.constant 0 : index
    %get3A_54 = arith.constant 0 : index
    %get3A_55 = vector.load %arg10[%get3A_53, %get3A_54] : memref<1x128xf32, #tpu.memory_space<vmem>>, vector<1x128xf32>
    %add3A_56 = vector.broadcast %get3A_55 : vector<1x128xf32> to vector<2048x128xf32>
    %add3A_57 = arith.addf %dot_general3A_52, %add3A_56 : vector<2048x128xf32>
    %reduce_sum3A_58 = arith.constant dense<0.000000e+00> : vector<2048xf32>
    %reduce_sum3A_59 = vector.multi_reduction <add>, %add3A_57, %reduce_sum3A_58 [1] : vector<2048x128xf32> to vector<2048xf32>
    %broadcast_in_dim3A_60 = vector.shape_cast %reduce_sum3A_59 : vector<2048xf32> to vector<2048x1xf32>
    %div3A_61 = arith.constant 1.280000e+02 : f32
    %div3A_62 = vector.broadcast %div3A_61 : f32 to vector<2048x1xf32>
    %div3A_63 = arith.divf %broadcast_in_dim3A_60, %div3A_62 : vector<2048x1xf32>
    %sub3A = vector.broadcast %div3A_63 : vector<2048x1xf32> to vector<2048x128xf32>
    %sub3A_64 = arith.subf %add3A_57, %sub3A : vector<2048x128xf32>
    %sub3A_65 = vector.broadcast %div3A_63 : vector<2048x1xf32> to vector<2048x128xf32>
    %sub3A_66 = arith.subf %add3A_57, %sub3A_65 : vector<2048x128xf32>
    %mul3A_67 = arith.mulf %sub3A_64, %sub3A_66 : vector<2048x128xf32>
    %reduce_sum3A_68 = arith.constant dense<0.000000e+00> : vector<2048xf32>
    %reduce_sum3A_69 = vector.multi_reduction <add>, %mul3A_67, %reduce_sum3A_68 [1] : vector<2048x128xf32> to vector<2048xf32>
    %broadcast_in_dim3A_70 = vector.shape_cast %reduce_sum3A_69 : vector<2048xf32> to vector<2048x1xf32>
    %div3A_71 = arith.constant 1.280000e+02 : f32
    %div3A_72 = vector.broadcast %div3A_71 : f32 to vector<2048x1xf32>
    %div3A_73 = arith.divf %broadcast_in_dim3A_70, %div3A_72 : vector<2048x1xf32>
    %sub3A_74 = vector.broadcast %div3A_63 : vector<2048x1xf32> to vector<2048x128xf32>
    %sub3A_75 = arith.subf %add3A_57, %sub3A_74 : vector<2048x128xf32>
    %add3A_76 = arith.constant 9.99999974E-6 : f32
    %add3A_77 = vector.broadcast %add3A_76 : f32 to vector<2048x1xf32>
    %add3A_78 = arith.addf %div3A_73, %add3A_77 : vector<2048x1xf32>
    %rsqrt3A = math.rsqrt %add3A_78 : vector<2048x1xf32>
    %mul3A_79 = vector.broadcast %rsqrt3A : vector<2048x1xf32> to vector<2048x128xf32>
    %mul3A_80 = arith.mulf %sub3A_75, %mul3A_79 : vector<2048x128xf32>
    %get3A_81 = arith.constant 0 : index
    %get3A_82 = arith.constant 0 : index
    %get3A_83 = vector.load %arg11[%get3A_81, %get3A_82] : memref<1x128xf32, #tpu.memory_space<vmem>>, vector<1x128xf32>
    %mul3A_84 = vector.broadcast %get3A_83 : vector<1x128xf32> to vector<2048x128xf32>
    %mul3A_85 = arith.mulf %mul3A_80, %mul3A_84 : vector<2048x128xf32>
    %get3A_86 = arith.constant 0 : index
    %get3A_87 = arith.constant 0 : index
    %get3A_88 = vector.load %arg12[%get3A_86, %get3A_87] : memref<1x128xf32, #tpu.memory_space<vmem>>, vector<1x128xf32>
    %add3A_89 = vector.broadcast %get3A_88 : vector<1x128xf32> to vector<2048x128xf32>
    %add3A_90 = arith.addf %mul3A_85, %add3A_89 : vector<2048x128xf32>
    %swap3A = arith.constant 0 : index
    %swap3A_91 = arith.constant 0 : index
    %swap3A_92 = vector.load %arg13[%swap3A, %swap3A_91] : memref<2048x128xf32, #tpu.memory_space<vmem>>, vector<2048x128xf32>
    tpu.vector_store %arg13[%swap3A, %swap3A_91], %add3A_90 {strides = array<i32>} : memref<2048x128xf32, #tpu.memory_space<vmem>>, vector<2048x128xf32>,
    return
  }
  func.func @transform_0(%arg0: i32) -> (i32, i32, i32) {
    %c0_i32 = arith.constant 0 : i32
    %c0_i32_0 = arith.constant 0 : i32
    %c0_i32_1 = arith.constant 0 : i32
    return %c0_i32, %arg0, %c0_i32_0 : i32, i32, i32
  }
  func.func @transform_1(%arg0: i32) -> (i32, i32) {
    %c0_i32 = arith.constant 0 : i32
    %c0_i32_0 = arith.constant 0 : i32
    return %c0_i32, %arg0 : i32, i32
  }
  func.func @transform_2(%arg0: i32) -> (i32, i32) {
    %c0_i32 = arith.constant 0 : i32
    %c0_i32_0 = arith.constant 0 : i32
    return %arg0, %c0_i32 : i32, i32
  }
  func.func @transform_3(%arg0: i32) -> (i32, i32) {
    %c0_i32 = arith.constant 0 : i32
    %c0_i32_0 = arith.constant 0 : i32
    %c0_i32_1 = arith.constant 0 : i32
    return %c0_i32, %c0_i32_0 : i32, i32
  }
  func.func @transform_4(%arg0: i32) -> (i32, i32) {
    %c0_i32 = arith.constant 0 : i32
    %c0_i32_0 = arith.constant 0 : i32
    %c0_i32_1 = arith.constant 0 : i32
    return %c0_i32, %c0_i32_0 : i32, i32
  }
  func.func @transform_5(%arg0: i32) -> (i32, i32) {
    %c0_i32 = arith.constant 0 : i32
    %c0_i32_0 = arith.constant 0 : i32
    %c0_i32_1 = arith.constant 0 : i32
    return %c0_i32, %c0_i32_0 : i32, i32
  }
  func.func @transform_6(%arg0: i32) -> (i32, i32) {
    %c0_i32 = arith.constant 0 : i32
    %c0_i32_0 = arith.constant 0 : i32
    %c0_i32_1 = arith.constant 0 : i32
    return %c0_i32, %c0_i32_0 : i32, i32
  }
  func.func @transform_7(%arg0: i32) -> (i32, i32) {
    %c0_i32 = arith.constant 0 : i32
    %c0_i32_0 = arith.constant 0 : i32
    %c0_i32_1 = arith.constant 0 : i32
    return %c0_i32, %c0_i32_0 : i32, i32
  }
  func.func @transform_8(%arg0: i32) -> (i32, i32) {
    %c0_i32 = arith.constant 0 : i32
    %c0_i32_0 = arith.constant 0 : i32
    %c0_i32_1 = arith.constant 0 : i32
    return %c0_i32, %c0_i32_0 : i32, i32
  }
  func.func @transform_9(%arg0: i32) -> (i32, i32) {
    %c0_i32 = arith.constant 0 : i32
    %c0_i32_0 = arith.constant 0 : i32
    %c0_i32_1 = arith.constant 0 : i32
    return %c0_i32, %c0_i32_0 : i32, i32
  }
  func.func @transform_10(%arg0: i32) -> (i32, i32) {
    %c0_i32 = arith.constant 0 : i32
    %c0_i32_0 = arith.constant 0 : i32
    %c0_i32_1 = arith.constant 0 : i32
    return %c0_i32, %c0_i32_0 : i32, i32
  }
  func.func @transform_11(%arg0: i32) -> (i32, i32) {
    %c0_i32 = arith.constant 0 : i32
    %c0_i32_0 = arith.constant 0 : i32
    %c0_i32_1 = arith.constant 0 : i32
    return %c0_i32, %c0_i32_0 : i32, i32
  }
  func.func @transform_12(%arg0: i32) -> (i32, i32) {
    %c0_i32 = arith.constant 0 : i32
    %c0_i32_0 = arith.constant 0 : i32
    return %arg0, %c0_i32 : i32, i32
  }
}

</mosaic_0001>

<sc_bundles>
// kernel: kernel.5.cloned.1.call-start
scs
__scs_entry_jumppad:
0x0: {  	(pc) =	sbr.rel $0x88, $3  }
0x1: {  	(tag) =	ssettag $0x0;
	lr =	simm.s32 $0x1  }
0x2: {  	[smem:$0x3F94] =	sst lr;
	_ =	strace $0xD0000000  }
0x3: {  	_ = 	snop  }
0x4: {  	_ = 	snop  }
0x5: {  	_ = 	snop  }
0x6: {  	_ = 	snop  }
0x7: {  	_ = 	snop  }
__scs_overlays_trampoline_lowered:
0x8: {  	[smem:$0x3FA3] =	sst s0  }
0x9: {  	[smem:$0x3FA4] =	sst s1  }
0xa: {  	[smem:$0x3FA5] =	sst s2  }
0xb: {  	[smem:$0x3FA6] =	sst s3  }
0xc: {  	[smem:$0x3FA7] =	sst s4  }
0xd: {  	[smem:$0x3FA8] =	sst s5  }
0xe: {  	[smem:$0x3FA9] =	sst s6  }
0xf: {  	[smem:$0x3FAA] =	sst s7  }
0x10: {  	[smem:$0x3FAB] =	sst s8  }
0x11: {  	[smem:$0x3FAC] =	sst s9;
	s0 =	simm.s32 @!p0 $0x0  }
0x12: {  	s1 =	sld [smem:$0x3F92];
	s0 =	simm.s32 @p0 $0x1  }
0x13: {  	[smem:$0x3FAD] =	sst s0;
	s0 =	simm.s32 @!p1 $0x0  }
0x14: {  	s2 =	sld [smem:$0x3F91];
	s0 =	simm.s32 @p1 $0x1  }
0x15: {  	[smem:$0x3FAE] =	sst s0;
	s0 =	simm.s32 @!p2 $0x0  }
0x16: {  	s3 =	sld [smem:$0x3FDB];
	s0 =	simm.s32 @p2 $0x1  }
0x17: {  	s4 =	simm.s32 $0x1BF5;
	[smem:$0x3FB0] =	sst s0  }
0x18: {  	s0 =	sld [smem:$0x3F93];
	_ =	swait.ge [sflag:s4], $0x0  }
0x19: {  	s7 =	sld [smem:$0x3F94]  }
0x1a: {  	s8 =	sadd.s32 $0xFFFFE003, lr  }
0x1b: {  	s9 =	sadd.s32 $0xFFFFFEF7, lr;
	s5 =	simm.s32 $0xFFFFFFFF;
	p2 =	slt.u32 s8, $0xFFFFF086  }
0x1c: {  	p1 =	slt.u32 s9, $0xF7A;
	s5 =	simm.s32 @!p2 $0x0  }
0x1d: {  	s5 =	simm.s32 @p1 $0x1;
	p0 =	seq.s32 s7, s2  }
0x1e: {  	s7 =	smul.u32 @!p0 $0xF7A, s2;
	p2 =	seq.s32 @!p0 s5, $0x0  }
0x1f: {  	s9 =	smul.u32 $0xF7A, s1;
	s8 =	simm.s32 @!p0 $0x1BF5;
	p2 =	por !p2, p0  }
0x20: {  	[sflag:s8] =	ssyncset.s32 @!p0 $0xFFFFF086;
	s6 =	sadd.s32 @!p0 s3, s7;
	s7 =	simm.s32 @!p0 $0x108  }
0x21: {  	s3 =	sadd.s32 s3, s9;
	s6 =	sadd.s32 @!p0 $0x88, s6;
	s7 =	simm.s32 @p2 $0x1082  }
0x22: {  	[simem:s7], [sflag:s8] =	dma.local @!p0 [hbm:s6], $0xF7A  }
0x23: {  	s9 =	sor.u32 $0xD0000000, s2;
	s6 =	simm.s32 $0x108;
	_ =	swait.ge @!p0 [sflag:s8], $0x0  }
0x24: {  	s3 =	sadd.s32 $0x88, s3;
	s6 =	simm.s32 @!p1 $0x1082;
	[sflag:s4] =	ssyncset.s32 $0xFFFFF086  }
0x25: {  	[simem:s6], [sflag:s4] =	dma.local [hbm:s3], $0xF7A  }
0x26: {  	[smem:$0x3F94] =	sst s1;
	(tag) =	ssettag s2;
	_ =	strace s9  }
0x27: {  	s1 =	sld [smem:$0x3FA4]  }
0x28: {  	s2 =	sld [smem:$0x3FA5]  }
0x29: {  	s4 =	sld [smem:$0x3FA7]  }
0x2a: {  	p0 =	seq.s32 s5, $0x0;
	s5 =	sld [smem:$0x3FA8]  }
0x2b: {  	s6 =	sld [smem:$0x3FA9]  }
0x2c: {  	s7 =	sld [smem:$0x3FAA]  }
0x2d: {  	s3 =	simm.s32 $0x108;
	s8 =	sld [smem:$0x3FAB]  }
0x2e: {  	s3 =	simm.s32 @!p0 $0x1082;
	s9 =	sld [smem:$0x3FAC]  }
0x2f: {  	lr =	sadd.s32 s0, s3;
	s0 =	sld [smem:$0x3FA3]  }
0x30: {  	s3 =	sld [smem:$0x3FA6]  }
0x31: {  	[smem:$0x3FAF] =	sst s10  }
0x32: {  	s10 =	sld [smem:$0x3FAD];
	_ =	sdelay $0x3  }
0x33: {  	p0 =	seq.s32 s10, $0x1;
	s10 =	sld [smem:$0x3FAF];
	_ =	sdelay $0x3  }
0x34: {  	[smem:$0x3FAF] =	sst s10  }
0x35: {  	s10 =	sld [smem:$0x3FAE];
	_ =	sdelay $0x3  }
0x36: {  	p1 =	seq.s32 s10, $0x1;
	s10 =	sld [smem:$0x3FAF];
	_ =	sdelay $0x3  }
0x37: {  	[smem:$0x3FAF] =	sst s10  }
0x38: {  	s10 =	sld [smem:$0x3FB0]  }
0x39: {  	_ = 	snop;
	(pc) =	sbr.ind lr, $3  }
0x3a: {  	_ = 	snop  }
0x3b: {  	_ = 	snop  }
0x3c: {  	p2 =	seq.s32 s10, $0x1;
	s10 =	sld [smem:$0x3FAF]  }
0x3d: {  	_ =	shalt  }
0x3e: {  	_ =	shalt  }
0x3f: {  	_ =	shalt  }
0x40: {  	_ =	shalt  }
0x41: {  	_ =	shalt  }
0x42: {  	_ =	shalt  }
0x43: {  	_ =	shalt  }
0x44: {  	_ =	shalt  }
0x45: {  	_ =	shalt  }
0x46: {  	_ =	shalt  }
0x47: {  	_ =	shalt  }
0x48: {  	_ =	shalt  }
0x49: {  	_ =	shalt  }
0x4a: {  	_ =	shalt  }
0x4b: {  	_ =	shalt  }
0x4c: {  	_ =	shalt  }
0x4d: {  	_ =	shalt  }
0x4e: {  	_ =	shalt  }
0x4f: {  	_ =	shalt  }
0x50: {  	_ =	shalt  }
0x51: {  	_ =	shalt  }
0x52: {  	_ =	shalt  }
0x53: {  	_ =	shalt  }
0x54: {  	_ =	shalt  }
0x55: {  	_ =	shalt  }
0x56: {  	_ =	shalt  }
0x57: {  	_ =	shalt  }
0x58: {  	_ =	shalt  }
0x59: {  	_ =	shalt  }
0x5a: {  	_ =	shalt  }
0x5b: {  	_ =	shalt  }
0x5c: {  	_ =	shalt  }
0x5d: {  	_ =	shalt  }
0x5e: {  	_ =	shalt  }
0x5f: {  	_ =	shalt  }
0x60: {  	_ =	shalt  }
0x61: {  	_ =	shalt  }
0x62: {  	_ =	shalt  }
0x63: {  	_ =	shalt  }
0x64: {  	_ =	shalt  }
0x65: {  	_ =	shalt  }
0x66: {  	_ =	shalt  }
0x67: {  	_ =	shalt  }
0x68: {  	_ =	shalt  }
0x69: {  	_ =	shalt  }
0x6a: {  	_ =	shalt  }
0x6b: {  	_ =	shalt  }
0x6c: {  	_ =	shalt  }
0x6d: {  	_ =	shalt  }
0x6e: {  	_ =	shalt  }
0x6f: {  	_ =	shalt  }
0x70: {  	_ =	shalt  }
0x71: {  	_ =	shalt  }
0x72: {  	_ =	shalt  }
0x73: {  	_ =	shalt  }
0x74: {  	_ =	shalt  }
0x75: {  	_ =	shalt  }
0x76: {  	_ =	shalt  }
0x77: {  	_ =	shalt  }
0x78: {  	_ =	shalt  }
0x79: {  	_ =	shalt  }
0x7a: {  	_ =	shalt  }
0x7b: {  	_ =	shalt  }
0x7c: {  	_ =	shalt  }
0x7d: {  	_ =	shalt  }
0x7e: {  	_ =	shalt  }
0x7f: {  	_ =	shalt  }
0x80: {  	_ =	shalt  }
0x81: {  	_ =	shalt  }
0x82: {  	_ =	shalt  }
0x83: {  	_ =	shalt  }
0x84: {  	_ =	shalt  }
0x85: {  	_ =	shalt  }
0x86: {  	_ =	shalt  }
0x87: {  	_ =	shalt  }
.Lfunc_end0:
.L_simem_size_0:
called_computation_lowered:
.L_overlay_start_0:
0x88: {  	s2 =	sld [smem:$0x3FD9]  }
0x89: {  	s3 =	sld [smem:$0x3FFE];
	_ =	sdelay $0x1  }
0x8a: {  	s1 =	srdreg.scid  }
0x8b: {  	s0 =	sand.u32 $0x1, s1  }
0x8c: {  	s17 =	sshll.u32 s0, $0xA;
	s2 =	sadd.s32 s3, s2  }
0x8d: {  	s2 =	sadd.s32 s2, s17  }
0x8e: {  	[smem:$0x3FBB] =	sst s2  }
0x8f: {  	_ = 	snop  }
0x90: {  	s2 =	sld [smem:$0x3FD0];
	(tm) =	ssettm $0x1  }
0x91: {  	s18 =	sld [smem:$0x3FFB];
	_ =	sdelay $0x3  }
0x92: {  	_ =	strace s18  }
0x93: {  	s3 =	sld [smem:$0x3FFC];
	_ =	sdelay $0x3  }
0x94: {  	_ =	strace s3  }
0x95: {  	s3 =	sld [smem:$0x3FFD];
	_ =	sdelay $0x3  }
0x96: {  	_ =	strace s3  }
0x97: {  	_ =	strace $0x8FFFFFFF  }
0x98: {  	s19 =	sld [smem:$0x3FDB];
	_ =	sdelay $0x1  }
0x99: {  	s4 =	simm.s32 $_scs_section_size  }
0x9a: {  	s5 =	simm.s32 $_size__tile_overlayer_lowered;
	s6 =	simm.s32 $_tile_overlayer_lowered  }
0x9b: {  	s22 =	simm.s32 $0x1BFF;
	s21 =	sshll.u32 s6, $0x1;
	s3 =	sadd.s32 s4, s19  }
0x9c: {  	s7 =	simm.s32 $0x0;
	s20 =	sshll.u32 s5, $0x1;
	s5 =	sadd.s32 s21, s3  }
0x9d: {  	[timem:s7], [sflag:s22] =	dma.local [hbm:s5], s20  }
0x9e: {  	_ =	swait.ge [sflag:s22], s20  }
0x9f: {  	s4 =	ssub.s32 $0x0, s20;
	[sflag:s22] =	ssyncset.done $0x0  }
0xa0: {  	[sflag:s22] =	ssyncadd.s32 s4;
	_ =	sdelay $0x1  }
0xa1: {  	s23 =	simm.s32 $0x1B8B  }
0xa2: {  	_ =	swait.ge [sflag:s23], $0x1  }
0xa3: {  	[sflag:s23] =	ssyncset.done $0x0  }
0xa4: {  	s25 =	simm.s32 $0x1B8E;
	s24 =	sld [smem:$0x3FFE];
	[sflag:s23] =	ssyncadd.s32 $0xFFFFFFFF  }
0xa5: {  	s26 =	simm.s32 $execute0_lowered;
	[smem:$0x3FD2] =	sst s25  }
0xa6: {  	s5 =	sshll.u32 s26, $0x1;
	_ =	strace $0x80000046;
	[dreg:$0x1] =	wrdreg $0xFFFFFFFF  }
0xa7: {  	s28 =	simm.s32 $_size_execute0_lowered;
	s3 =	sadd.s32 s3, s5;
	[dreg:$0x0] =	wrdreg $0x0  }
0xa8: {  	s5 =	sshll.u32 s28, $0x1;
	[dreg:$0x2] =	wrdreg s3  }
0xa9: {  	[dreg:$0x3] =	wrdreg s5  }
0xaa: {  	[dreg:$0x4] =	wrdreg $0xC0  }
0xab: {  	_ =	task [dreg:s7], $0x5FFFF  }
0xac: {  	[dreg:$0x1] =	wrdreg $0xFFFFFFFF  }
0xad: {  	[dreg:$0x0] =	wrdreg $0x60  }
0xae: {  	[dreg:$0x2] =	wrdreg s24  }
0xaf: {  	[dreg:$0x3] =	wrdreg s2  }
0xb0: {  	[dreg:$0x4] =	wrdreg $0xA2000  }
0xb1: {  	[dreg:$0x5] =	wrdreg $0x9  }
0xb2: {  	_ =	task.clear_ibuf [dreg:s7], $0x6FFFF;
	_ =	strace $0x90000046  }
0xb3: {  	s29 =	simm.s32 $0x9;
	_ =	strace $0x80000048  }
0xb4: {  	_ =	swait.ge [sflag:s29], $0x1  }
0xb5: {  	[sflag:s29] =	ssyncadd.s32 $0xFFFFFFFF  }
0xb6: {  	_ =	strace $0x90000048  }
0xb7: {  	_ =	sfence  }
0xb8: {  	s30 =	sld [smem:$0x0];
	_ =	sdelay $0x2  }
0xb9: {  	s31 =	sshll.u32 s1, $0xD;
	s1 =	sshrl.u32 s1, $0x2  }
0xba: {  	s3 =	sand.u32 $0x4000, s31;
	s1 =	sadd.s32 s1, s30  }
0xbb: {  	s0 =	sor.u32 s3, s0;
	s1 =	sshll.u32 s1, $0x11  }
0xbc: {  	s0 =	sor.u32 s1, s0  }
0xbd: {  	s0 =	sadd.s32 $0x8F2B, s0  }
0xbe: {  	[sflag:s0] =	ssyncadd.remote.s32 $0x1  }
0xbf: {  	_ =	sfence.sel $0xFFFF  }
0xc0: {  	[dreg:$0x0] =	wrdreg $0xFFFFFFFF;
	(pc) =	sbr.abs _section_cstart, $3  }
0xc1: {  	[dreg:$0x1] =	wrdreg $0xFFFFFFFF  }
0xc2: {  	_ =	task.clear_ibuf [dreg:s7], $0x2FFFF;
	_ =	strace $0x9FFFFFFF  }
0xc3: {  	(tm) =	ssettm $0x7FFFFFFF  }
tec
execute0_lowered:
.L_overlay_start_1:
0x0: {  	(tag) =	ssettag $0x1  }
0x1: {  	s0 =	rddreg [dreg:$0x0]  }
0x2: {  	s1 =	rddreg [dreg:$0x1]  }
0x3: {  	s3 =	rddreg [dreg:$0x2]  }
0x4: {  	s5 =	simm.s32 $0x0;
	s2 =	srdreg.scid;
	s4 =	stileid.u32  }
0x5: {  	[smem:$0x7FF] =	sst s5;
	s21 =	smul.u32 $0x280, s4;
	s6 =	sadd.s32 $0x29A00, s0  }
0x6: {  	s2 =	sand.u32 $0x1, s2;
	s7 =	sadd.s32 $0x4F8400, s0;
	s8 =	sadd.s32 $0x4EE600, s0  }
0x7: {  	s12 =	smul.u32 $0x50000, s4;
	s14 =	sshll.u32 s4, $0x6;
	_ =	strace $0x80000047  }
0x8: {  	s9 =	smul.u32 $0x2800, s2;
	s10 =	sshll.u32 s2, $0x4;
	s2 =	ssub.s32 $0x2, s2  }
0x9: {  	[dreg:$0x4] =	wrdreg s6;
	s10 =	sor.u32 s4, s10;
	s22 =	sshrl.u32 s2, $0x1  }
0xa: {  	s12 =	sshrl.u32 s12, $0x2;
	s4 =	sor.u32 $0x1C07, s14;
	s11 =	smul.u32 $0x500, s10  }
0xb: {  	s5 =	sadd.s32 s21, s9;
	s9 =	sadd.s32 $0x4E4800, s0;
	s13 =	smul.u32 $0x5, s10  }
0xc: {  	s2 =	ssub.s32 s2, s22;
	s22 =	sadd.s32 s12, s3;
	[dreg:$0x6] =	wrdreg s4  }
0xd: {  	s15 =	smul.u32 $0x280, s10;
	[dreg:$0x5] =	wrdreg s22;
	s23 =	sadd.s32 s8, s13  }
0xe: {  	s5 =	sshll.u32 s5, $0x4;
	s24 =	sadd.s32 s9, s13;
	[dreg:$0x7] =	wrdreg s23  }
0xf: {  	s5 =	sadd.s32 s5, s0;
	s25 =	sadd.s32 s7, s15;
	[dreg:$0x8] =	wrdreg s24  }
0x10: {  	s6 =	sadd.s32 $0x2800, s0;
	[dreg:$0x9] =	wrdreg s25;
	s26 =	sadd.s32 $0x36200, s5  }
0x11: {  	s0 =	sadd.s32 s11, s0;
	s11 =	sadd.s32 $0x36480, s5;
	[dreg:$0xa] =	wrdreg s26  }
0x12: {  	s12 =	sadd.s32 $0x36700, s5;
	[dreg:$0xb] =	wrdreg s11  }
0x13: {  	s13 =	sadd.s32 $0x36980, s5;
	[dreg:$0xc] =	wrdreg s12  }
0x14: {  	s14 =	sadd.s32 $0x36C00, s5;
	[dreg:$0xd] =	wrdreg s13  }
0x15: {  	s15 =	sadd.s32 $0x36E80, s5;
	[dreg:$0xe] =	wrdreg s14  }
0x16: {  	s16 =	sadd.s32 $0x37100, s5;
	[dreg:$0xf] =	wrdreg s15  }
0x17: {  	s17 =	sadd.s32 $0x37380, s5;
	[dreg:$0x10] =	wrdreg s16  }
0x18: {  	s18 =	sadd.s32 $0x37600, s5;
	[dreg:$0x11] =	wrdreg s17  }
0x19: {  	s19 =	sadd.s32 $0x37880, s5;
	[dreg:$0x12] =	wrdreg s18  }
0x1a: {  	s20 =	sadd.s32 $0x37B00, s5;
	[dreg:$0x13] =	wrdreg s19  }
0x1b: {  	s21 =	sadd.s32 $0x37D80, s5;
	[dreg:$0x14] =	wrdreg s20  }
0x1c: {  	s23 =	sadd.s32 $0x38000, s5;
	[dreg:$0x15] =	wrdreg s21  }
0x1d: {  	s24 =	sadd.s32 $0x38280, s5;
	[dreg:$0x16] =	wrdreg s23  }
0x1e: {  	s25 =	sadd.s32 $0x38500, s5;
	[dreg:$0x17] =	wrdreg s24  }
0x1f: {  	s0 =	sadd.s32 $0x2C200, s0;
	[dreg:$0x18] =	wrdreg s25  }
0x20: {  	s26 =	sadd.s32 $0x38780, s5;
	[dreg:$0x1a] =	wrdreg s0  }
0x21: {  	s5 =	smax.u32 s2, $0x1;
	[dreg:$0x19] =	wrdreg s26  }
0x22: {  	s12 =	sadd.s32 $0x2800, s22;
	[dreg:$0x1b] =	wrdreg s5  }
0x23: {  	s13 =	sadd.s32 $0x3C00, s22;
	[dreg:$0x1d] =	wrdreg s12  }
0x24: {  	s14 =	sadd.s32 $0x5000, s22;
	[dreg:$0x1e] =	wrdreg s13  }
0x25: {  	s15 =	sadd.s32 $0x6400, s22;
	[dreg:$0x1f] =	wrdreg s14  }
0x26: {  	s28 =	simm.s32 $0x7;
	s16 =	sadd.s32 $0x7800, s22;
	[smem:$0x7F3] =	sst s15  }
0x27: {  	s29 =	simm.s32 $0x80;
	s17 =	sadd.s32 $0x8C00, s22;
	[smem:$0x7F4] =	sst s16  }
0x28: {  	s30 =	simm.s32 $0x28;
	s18 =	sadd.s32 $0xA000, s22;
	[smem:$0x7F5] =	sst s17  }
0x29: {  	s31 =	simm.s32 $0x100;
	s19 =	sadd.s32 $0xB400, s22;
	[smem:$0x7F6] =	sst s18  }
0x2a: {  	s11 =	sor.u32 $0x20, s10;
	s20 =	sadd.s32 $0xC800, s22;
	[smem:$0x7F7] =	sst s19  }
0x2b: {  	s21 =	sadd.s32 $0xDC00, s22;
	s23 =	sadd.s32 $0xF000, s22;
	[smem:$0x7F8] =	sst s20  }
0x2c: {  	s24 =	sadd.s32 $0x10400, s22;
	s25 =	sadd.s32 $0x11800, s22;
	[smem:$0x7F9] =	sst s21  }
0x2d: {  	s0 =	simm.s32 $0x3D00;
	s2 =	simm.s32 $0x3D80;
	[smem:$0x7FA] =	sst s23  }
0x2e: {  	s5 =	sor.u32 $0x40, s10;
	s10 =	sadd.s32 $0x1400, s22;
	[smem:$0x7FB] =	sst s24  }
0x2f: {  	[smem:$0x7FC] =	sst s25;
	s26 =	sadd.s32 $0x12C00, s22;
	s12 =	simm.s32 $0x3E00  }
0x30: {  	s13 =	simm.s32 $0x5200;
	s14 =	simm.s32 $0x6600;
	s15 =	simm.s32 $0x1  }
0x31: {  	s16 =	simm.s32 $0x2;
	s17 =	simm.s32 $0x3;
	s18 =	simm.s32 $0x7A00  }
0x32: {  	s19 =	simm.s32 $0x4;
	s20 =	simm.s32 $0x5;
	[dreg:$0x1c] =	wrdreg s10  }
0x33: {  	v0 =	vimm.f32 $0.0e+00;
	v1 =	vimm.f32 $1.000000000e+00;
	vm0 =	vcmask $0x3F20;
	s21 =	simm.s32 $0x6;
	[smem:$0x7FD] =	sst s26;
	s10 =	simm.s32 $0x0  }
.LBB2_1:
0x34: {  	[smem:$0x7F2] =	sst s10  }
0x35: {  	s4 =	rddreg [dreg:$0x4]  }
0x36: {  	s25 =	sshrl.u32 s22, $0x3;
	s26 =	rddreg [dreg:$0x6]  }
0x37: {  	[spmem:s25], [sflag:s26] =	dma.local [hbm:s4], $0x2800  }
0x38: {  	_ =	swait.ge [sflag:s28], $0x2800  }
0x39: {  	[sflag:s28] =	ssyncset.done $0x0  }
0x3a: {  	s10 =	simm.s32 $0x40;
	s23 =	simm.s32 $0x0;
	[sflag:s28] =	ssyncadd.s32 $0xFFFFD800  }
.LBB2_2:
0x3b: {  	p0 =	sne.s32 s10, $0x9FC0;
	[tilespmem:s23+$0x7A00] =	vst v0;
	s23 =	smov.u32 s10;
	s10 =	sadd.s32 $0x40, s10  }
.Ltmp0:
0x3c: {  	(pc) =	sbr.rel @p0 .LBB2_2-.Ltmp0, $2  }
0x3d: {  	_ =	sdelay $0x2  }
0x3e: {  	s23 =	sshra.s32 s23, $0x2  }
0x3f: {  	[tilespmem:s23+$0x7A00] =	vst v0  }
0x40: {  	[bflag:$0x0] =	sbarrier.arrive $0xFFFF  }
0x41: {  	s23 =	simm.s32 $0x0;
	s4 =	rddreg [dreg:$0x7]  }
0x42: {  	[tilespmem:s23], [sflag:$0x7] =	stream.linear.gather [hbm4b:s4+s23], $0x28, $0x38;
	[tilespmem:$0x1E200] =	vst v63  }
0x43: {  	_ =	swait.ge [sflag:s28], $0x28  }
0x44: {  	[sflag:s28] =	ssyncset.done $0x0  }
0x45: {  	s24 =	rddreg [dreg:$0x8];
	[sflag:s28] =	ssyncadd.s32 $0xFFFFFFD8  }
0x46: {  	[tilespmem:s29], [sflag:$0x7] =	stream.linear.gather [hbm4b:s24+s23], $0x28, $0x38;
	[tilespmem:$0x1E200] =	vst v63  }
0x47: {  	_ =	swait.ge [sflag:s28], $0x28  }
0x48: {  	[sflag:s28] =	ssyncset.done $0x0  }
0x49: {  	[sflag:s28] =	ssyncadd.s32 $0xFFFFFFD8  }
0x4a: {  	[tilespmem:s31], [sflag:$0x1] =	stream.indirect.gather [hbm4b:s1+s30], $0x80, s23, s30, $0xb8;
	[tilespmem:$0x1E200] =	vst v63  }
0x4b: {  	s25 =	simm.s32 $0x1500  }
0x4c: {  	[tilespmem:s25], [sflag:$0x2] =	stream.indirect.gather [hbm4b:s6+s30], $0x80, s29, s30, $0xb8;
	[tilespmem:$0x1E200] =	vst v63  }
0x4d: {  	s10 =	simm.s32 $0x2900;
	s24 =	simm.s32 $0x0;
	s26 =	rddreg [dreg:$0x9]  }
0x4e: {  	[tilespmem:s10], [sflag:$0x3] =	stream.linear.gather [hbm4b:s26+s23], $0x1400, $0x38;
	[tilespmem:$0x1E200] =	vst v63  }
.LBB2_4:
0x4f: {  	s25 =	sshll.u32 s24, $0x6  }
0x50: {  	s10 =	sor.u32 s11, s25  }
0x51: {  	s26 =	smul.u32 $0x5, s10;
	_ =	sdelay $0x1  }
0x52: {  	s22 =	sadd.s32 s8, s26  }
0x53: {  	[tilespmem:s0], [sflag:$0x7] =	stream.linear.gather [hbm4b:s22+s23], $0x28, $0x38;
	[tilespmem:$0x1E200] =	vst v63  }
0x54: {  	_ =	swait.ge [sflag:s28], $0x28  }
0x55: {  	[sflag:s28] =	ssyncset.done $0x0  }
0x56: {  	s26 =	sadd.s32 s9, s26;
	[sflag:s28] =	ssyncadd.s32 $0xFFFFFFD8  }
0x57: {  	[tilespmem:s2], [sflag:$0x7] =	stream.linear.gather [hbm4b:s26+s23], $0x28, $0x38;
	[tilespmem:$0x1E200] =	vst v63  }
0x58: {  	_ =	swait.ge [sflag:s28], $0x28  }
0x59: {  	[sflag:s28] =	ssyncset.done $0x0  }
0x5a: {  	[sflag:s28] =	ssyncadd.s32 $0xFFFFFFD8  }
0x5b: {  	[tilespmem:s12], [sflag:$0x4] =	stream.indirect.gather [hbm4b:s1+s30], $0x80, s0, s30, $0xb8;
	[tilespmem:$0x1E200] =	vst v63  }
0x5c: {  	s10 =	smul.u32 $0x280, s10  }
0x5d: {  	[tilespmem:s13], [sflag:$0x5] =	stream.indirect.gather [hbm4b:s6+s30], $0x80, s2, s30, $0xb8;
	[tilespmem:$0x1E200] =	vst v63  }
0x5e: {  	s10 =	sadd.s32 s7, s10  }
0x5f: {  	[tilespmem:s14], [sflag:$0x6] =	stream.linear.gather [hbm4b:s10+s23], $0x1400, $0x38;
	[tilespmem:$0x1E200] =	vst v63  }
0x60: {  	_ =	swait.ge [sflag:s15], $0x1400  }
0x61: {  	[sflag:s15] =	ssyncset.done $0x0  }
0x62: {  	[sflag:s15] =	ssyncadd.s32 $0xFFFFEC00  }
0x63: {  	_ =	swait.ge [sflag:s16], $0x1400  }
0x64: {  	[sflag:s16] =	ssyncset.done $0x0  }
0x65: {  	[sflag:s16] =	ssyncadd.s32 $0xFFFFEC00  }
0x66: {  	_ =	swait.ge [sflag:s17], $0x1400  }
0x67: {  	[sflag:s17] =	ssyncset.done $0x0  }
0x68: {  	s26 =	simm.s32 $0x0;
	[sflag:s17] =	ssyncadd.s32 $0xFFFFEC00  }
0x69: {  	v6 =	vld [tilespmem:s26+$0x2900]  }
0x6a: {  	v7 =	vld [tilespmem:s26+$0x2910]  }
0x6b: {  	v5 =	vld [tilespmem:s26+$0x2920]  }
0x6c: {  	v4 =	vld [tilespmem:s26+$0x2930]  }
0x6d: {  	v3 =	vld [tilespmem:s26+$0x2940]  }
0x6e: {  	v2 =	vld [tilespmem:s26+$0x2950]  }
0x6f: {  	v14 =	vld [tilespmem:s26+$0x1500]  }
0x70: {  	v19 =	vld [tilespmem:s26+$0x1510]  }
0x71: {  	v13 =	vld [tilespmem:s26+$0x1520]  }
0x72: {  	v12 =	vld [tilespmem:s26+$0x1530]  }
0x73: {  	v11 =	vld [tilespmem:s26+$0x1540]  }
0x74: {  	v10 =	vld [tilespmem:s26+$0x1550]  }
0x75: {  	v9 =	vld [tilespmem:s26+$0x1560]  }
0x76: {  	v8 =	vld [tilespmem:s26+$0x1570]  }
0x77: {  	v20 =	vld [tilespmem:s26+$0x100]  }
0x78: {  	v21 =	vld [tilespmem:s26+$0x110]  }
0x79: {  	v18 =	vld [tilespmem:s26+$0x120]  }
0x7a: {  	v17 =	vld [tilespmem:s26+$0x130]  }
0x7b: {  	v16 =	vld [tilespmem:s26+$0x140]  }
0x7c: {  	v15 =	vld [tilespmem:s26+$0x150];
	v20 =	vadd.f32 v14, v20  }
0x7d: {  	s10 =	simm.s32 $0x200;
	v19 =	vadd.f32 v19, v21;
	v14 =	vld [tilespmem:s26+$0x160]  }
.LBB2_5:
0x7e: {  	p0 =	sne.s32 s10, $0x4E00;
	v6 =	vadd.f32 v6, v20;
	v13 =	vadd.f32 v13, v18;
	v18 =	vld [tilespmem:s26+$0x170]  }
0x7f: {  	v7 =	vadd.f32 v7, v19;
	v12 =	vadd.f32 v12, v17;
	v17 =	vld [tilespmem:s26+$0x2960]  }
0x80: {  	s22 =	sshra.s32 s10, $0x2;
	v19 =	vmax.f32 v6, $0.0e+00;
	v5 =	vadd.f32 v5, v13;
	v11 =	vadd.f32 v11, v16;
	v13 =	vld [tilespmem:s26+$0x2970]  }
0x81: {  	v6 =	vld [tilespmem:s22+$0x2900];
	[tilespmem:s26+$0x100] =	vst v19;
	v16 =	vmax.f32 v7, $0.0e+00;
	v4 =	vadd.f32 v4, v12;
	v10 =	vadd.f32 v10, v15  }
0x82: {  	v7 =	vld [tilespmem:s22+$0x2910];
	[tilespmem:s26+$0x110] =	vst v16;
	v12 =	vmax.f32 v5, $0.0e+00;
	v3 =	vadd.f32 v3, v11;
	v9 =	vadd.f32 v9, v14  }
0x83: {  	v5 =	vld [tilespmem:s22+$0x2920];
	[tilespmem:s26+$0x120] =	vst v12;
	v11 =	vmax.f32 v4, $0.0e+00;
	v2 =	vadd.f32 v2, v10;
	v8 =	vadd.f32 v8, v18  }
0x84: {  	v4 =	vld [tilespmem:s22+$0x2930];
	[tilespmem:s26+$0x130] =	vst v11;
	v10 =	vmax.f32 v3, $0.0e+00;
	v9 =	vadd.f32 v17, v9  }
0x85: {  	v3 =	vld [tilespmem:s22+$0x2940];
	[tilespmem:s26+$0x140] =	vst v10;
	v10 =	vmax.f32 v2, $0.0e+00;
	v8 =	vadd.f32 v13, v8  }
0x86: {  	v2 =	vld [tilespmem:s22+$0x2950];
	[tilespmem:s26+$0x150] =	vst v10;
	v9 =	vmax.f32 v9, $0.0e+00  }
0x87: {  	v14 =	vld [tilespmem:s22+$0x1500];
	[tilespmem:s26+$0x160] =	vst v9;
	v8 =	vmax.f32 v8, $0.0e+00  }
0x88: {  	v19 =	vld [tilespmem:s22+$0x1510];
	[tilespmem:s26+$0x170] =	vst v8;
	s26 =	smov.u32 s22  }
0x89: {  	v13 =	vld [tilespmem:s26+$0x1520]  }
0x8a: {  	v12 =	vld [tilespmem:s26+$0x1530]  }
0x8b: {  	v11 =	vld [tilespmem:s26+$0x1540]  }
0x8c: {  	v10 =	vld [tilespmem:s26+$0x1550]  }
0x8d: {  	v9 =	vld [tilespmem:s26+$0x1560]  }
0x8e: {  	v8 =	vld [tilespmem:s26+$0x1570]  }
0x8f: {  	v15 =	vld [tilespmem:s26+$0x100]  }
0x90: {  	v21 =	vld [tilespmem:s26+$0x110]  }
.Ltmp1:
0x91: {  	v18 =	vld [tilespmem:s26+$0x120];
	(pc) =	sbr.rel @p0 .LBB2_5-.Ltmp1, $4  }
0x92: {  	v17 =	vld [tilespmem:s26+$0x130]  }
0x93: {  	v16 =	vld [tilespmem:s26+$0x140]  }
0x94: {  	v20 =	vadd.f32 v14, v15;
	v15 =	vld [tilespmem:s26+$0x150]  }
0x95: {  	s10 =	sadd.s32 $0x200, s10;
	v19 =	vadd.f32 v19, v21;
	v14 =	vld [tilespmem:s26+$0x160]  }
0x96: {  	v6 =	vadd.f32 v6, v20;
	v13 =	vadd.f32 v13, v18;
	v18 =	vld [tilespmem:s26+$0x170]  }
0x97: {  	v7 =	vadd.f32 v7, v19;
	v12 =	vadd.f32 v12, v17;
	v17 =	vld [tilespmem:s26+$0x2960]  }
0x98: {  	v6 =	vmax.f32 v6, $0.0e+00;
	v5 =	vadd.f32 v5, v13;
	v11 =	vadd.f32 v11, v16;
	v13 =	vld [tilespmem:s26+$0x2970]  }
0x99: {  	[tilespmem:s26+$0x100] =	vst v6;
	v6 =	vmax.f32 v7, $0.0e+00;
	v4 =	vadd.f32 v4, v12;
	v7 =	vadd.f32 v10, v15  }
0x9a: {  	[tilespmem:s26+$0x110] =	vst v6;
	v5 =	vmax.f32 v5, $0.0e+00;
	v3 =	vadd.f32 v3, v11;
	v6 =	vadd.f32 v9, v14  }
0x9b: {  	[tilespmem:s26+$0x120] =	vst v5;
	v4 =	vmax.f32 v4, $0.0e+00;
	v2 =	vadd.f32 v2, v7;
	v5 =	vadd.f32 v8, v18  }
0x9c: {  	[tilespmem:s26+$0x130] =	vst v4;
	v3 =	vmax.f32 v3, $0.0e+00;
	v4 =	vadd.f32 v17, v6  }
0x9d: {  	[tilespmem:s26+$0x140] =	vst v3;
	v2 =	vmax.f32 v2, $0.0e+00;
	v3 =	vadd.f32 v13, v5  }
0x9e: {  	[tilespmem:s26+$0x150] =	vst v2;
	v2 =	vmax.f32 v4, $0.0e+00  }
0x9f: {  	[tilespmem:s26+$0x160] =	vst v2;
	v2 =	vmax.f32 v3, $0.0e+00  }
0xa0: {  	[tilespmem:s26+$0x170] =	vst v2  }
0xa1: {  	v2 =	vld [tilespmem:$0x80];
	_ =	sdelay $0x7  }
0xa2: {  	[tilespmem:v2+s18+$0x0] =	vst.idx.add.f32.msk $0xffff, v1  }
0xa3: {  	v2 =	vld [tilespmem:$0x90];
	_ =	sdelay $0x7  }
0xa4: {  	[tilespmem:v2+s18+$0x0] =	vst.idx.add.f32.msk $0xffff, v1  }
0xa5: {  	v2 =	vld [tilespmem:$0x98];
	_ =	sdelay $0x6  }
0xa6: {  	p0 =	seq.s32 s24, $0x7C  }
0xa7: {  	s10 =	sadd.s32 @!p0 s5, s25;
	[tilespmem:v2+s18+$0x0] =	vst.idx.add.f32.msk vm0, v1  }
0xa8: {  	[spmem:s3] =	stream.indirect.scatter.add.f32 [tilespmem:s31], [sflag:$0x7], $0x80, s29, s30, $0xb8;
	[tilespmem:$0x1E200] =	vst v63  }
0xa9: {  	s22 =	smul.u32 @!p0 $0x5, s10;
	_ =	swait.ge [sflag:s28], $0x1400  }
0xaa: {  	[sflag:s28] =	ssyncset.done $0x0  }
0xab: {  	s25 =	sadd.s32 @!p0 s8, s22;
	s26 =	simm.s32 @!p0 $0x0;
	[sflag:s28] =	ssyncadd.s32 $0xFFFFEC00  }
0xac: {  	[tilespmem:s26], [sflag:$0x7] =	stream.linear.gather @!p0 [hbm4b:s25+s26], $0x28, $0x38;
	[tilespmem:$0x1E200] =	vst v63  }
0xad: {  	s25 =	simm.s32 @!p0 $0x7  }
0xae: {  	_ =	swait.ge @!p0 [sflag:s25], $0x28  }
0xaf: {  	[sflag:s25] =	ssyncset.done @!p0 $0x0  }
0xb0: {  	s4 =	simm.s32 @!p0 $0x80;
	s22 =	sadd.s32 @!p0 s9, s22;
	[sflag:s25] =	ssyncadd.s32 @!p0 $0xFFFFFFD8  }
0xb1: {  	[tilespmem:s4], [sflag:$0x7] =	stream.linear.gather @!p0 [hbm4b:s22+s26], $0x28, $0x38;
	[tilespmem:$0x1E200] =	vst v63  }
0xb2: {  	_ =	swait.ge @!p0 [sflag:s25], $0x28  }
0xb3: {  	[sflag:s25] =	ssyncset.done @!p0 $0x0  }
0xb4: {  	s22 =	simm.s32 @!p0 $0x28;
	[sflag:s25] =	ssyncadd.s32 @!p0 $0xFFFFFFD8;
	s25 =	simm.s32 @!p0 $0x100  }
0xb5: {  	[tilespmem:s25], [sflag:$0x1] =	stream.indirect.gather @!p0 [hbm4b:s1+s22], $0x80, s26, s22, $0xb8;
	[tilespmem:$0x1E200] =	vst v63  }
0xb6: {  	s10 =	smul.u32 @!p0 $0x280, s10;
	s25 =	simm.s32 @!p0 $0x1500  }
0xb7: {  	[tilespmem:s25], [sflag:$0x2] =	stream.indirect.gather @!p0 [hbm4b:s6+s22], $0x80, s4, s22, $0xb8;
	[tilespmem:$0x1E200] =	vst v63  }
0xb8: {  	s4 =	sadd.s32 @!p0 s7, s10;
	s10 =	simm.s32 @!p0 $0x2900  }
0xb9: {  	[tilespmem:s10], [sflag:$0x3] =	stream.linear.gather @!p0 [hbm4b:s4+s26], $0x1400, $0x38;
	[tilespmem:$0x1E200] =	vst v63  }
0xba: {  	_ =	swait.ge [sflag:s19], $0x1400  }
0xbb: {  	[sflag:s19] =	ssyncset.done $0x0  }
0xbc: {  	[sflag:s19] =	ssyncadd.s32 $0xFFFFEC00  }
0xbd: {  	_ =	swait.ge [sflag:s20], $0x1400  }
0xbe: {  	[sflag:s20] =	ssyncset.done $0x0  }
0xbf: {  	[sflag:s20] =	ssyncadd.s32 $0xFFFFEC00  }
0xc0: {  	_ =	swait.ge [sflag:s21], $0x1400  }
0xc1: {  	[sflag:s21] =	ssyncset.done $0x0  }
0xc2: {  	s25 =	simm.s32 $0x0;
	[sflag:s21] =	ssyncadd.s32 $0xFFFFEC00  }
0xc3: {  	v6 =	vld [tilespmem:s25+$0x6600]  }
0xc4: {  	v7 =	vld [tilespmem:s25+$0x6610]  }
0xc5: {  	v5 =	vld [tilespmem:s25+$0x6620]  }
0xc6: {  	v4 =	vld [tilespmem:s25+$0x6630]  }
0xc7: {  	v3 =	vld [tilespmem:s25+$0x6640]  }
0xc8: {  	v2 =	vld [tilespmem:s25+$0x6650]  }
0xc9: {  	v14 =	vld [tilespmem:s25+$0x5200]  }
0xca: {  	v19 =	vld [tilespmem:s25+$0x5210]  }
0xcb: {  	v13 =	vld [tilespmem:s25+$0x5220]  }
0xcc: {  	v12 =	vld [tilespmem:s25+$0x5230]  }
0xcd: {  	v11 =	vld [tilespmem:s25+$0x5240]  }
0xce: {  	v10 =	vld [tilespmem:s25+$0x5250]  }
0xcf: {  	v9 =	vld [tilespmem:s25+$0x5260]  }
0xd0: {  	v8 =	vld [tilespmem:s25+$0x5270]  }
0xd1: {  	v20 =	vld [tilespmem:s25+$0x3E00]  }
0xd2: {  	v21 =	vld [tilespmem:s25+$0x3E10]  }
0xd3: {  	v18 =	vld [tilespmem:s25+$0x3E20]  }
0xd4: {  	v17 =	vld [tilespmem:s25+$0x3E30]  }
0xd5: {  	v16 =	vld [tilespmem:s25+$0x3E40]  }
0xd6: {  	v15 =	vld [tilespmem:s25+$0x3E50];
	v20 =	vadd.f32 v14, v20  }
0xd7: {  	s10 =	simm.s32 $0x200;
	v19 =	vadd.f32 v19, v21;
	v14 =	vld [tilespmem:s25+$0x3E60]  }
.LBB2_7:
0xd8: {  	p0 =	sne.s32 s10, $0x4E00;
	v6 =	vadd.f32 v6, v20;
	v13 =	vadd.f32 v13, v18;
	v18 =	vld [tilespmem:s25+$0x3E70]  }
0xd9: {  	v7 =	vadd.f32 v7, v19;
	v12 =	vadd.f32 v12, v17;
	v17 =	vld [tilespmem:s25+$0x6660]  }
0xda: {  	s4 =	sshra.s32 s10, $0x2;
	v19 =	vmax.f32 v6, $0.0e+00;
	v5 =	vadd.f32 v5, v13;
	v11 =	vadd.f32 v11, v16;
	v13 =	vld [tilespmem:s25+$0x6670]  }
0xdb: {  	v6 =	vld [tilespmem:s4+$0x6600];
	[tilespmem:s25+$0x3E00] =	vst v19;
	v16 =	vmax.f32 v7, $0.0e+00;
	v4 =	vadd.f32 v4, v12;
	v10 =	vadd.f32 v10, v15  }
0xdc: {  	v7 =	vld [tilespmem:s4+$0x6610];
	[tilespmem:s25+$0x3E10] =	vst v16;
	v12 =	vmax.f32 v5, $0.0e+00;
	v3 =	vadd.f32 v3, v11;
	v9 =	vadd.f32 v9, v14  }
0xdd: {  	v5 =	vld [tilespmem:s4+$0x6620];
	[tilespmem:s25+$0x3E20] =	vst v12;
	v11 =	vmax.f32 v4, $0.0e+00;
	v2 =	vadd.f32 v2, v10;
	v8 =	vadd.f32 v8, v18  }
0xde: {  	v4 =	vld [tilespmem:s4+$0x6630];
	[tilespmem:s25+$0x3E30] =	vst v11;
	v10 =	vmax.f32 v3, $0.0e+00;
	v9 =	vadd.f32 v17, v9  }
0xdf: {  	v3 =	vld [tilespmem:s4+$0x6640];
	[tilespmem:s25+$0x3E40] =	vst v10;
	v10 =	vmax.f32 v2, $0.0e+00;
	v8 =	vadd.f32 v13, v8  }
0xe0: {  	v2 =	vld [tilespmem:s4+$0x6650];
	[tilespmem:s25+$0x3E50] =	vst v10;
	v9 =	vmax.f32 v9, $0.0e+00  }
0xe1: {  	v14 =	vld [tilespmem:s4+$0x5200];
	[tilespmem:s25+$0x3E60] =	vst v9;
	v8 =	vmax.f32 v8, $0.0e+00  }
0xe2: {  	v19 =	vld [tilespmem:s4+$0x5210];
	[tilespmem:s25+$0x3E70] =	vst v8;
	s25 =	smov.u32 s4  }
0xe3: {  	v13 =	vld [tilespmem:s25+$0x5220]  }
0xe4: {  	v12 =	vld [tilespmem:s25+$0x5230]  }
0xe5: {  	v11 =	vld [tilespmem:s25+$0x5240]  }
0xe6: {  	v10 =	vld [tilespmem:s25+$0x5250]  }
0xe7: {  	v9 =	vld [tilespmem:s25+$0x5260]  }
0xe8: {  	v8 =	vld [tilespmem:s25+$0x5270]  }
0xe9: {  	v15 =	vld [tilespmem:s25+$0x3E00]  }
0xea: {  	v21 =	vld [tilespmem:s25+$0x3E10]  }
.Ltmp2:
0xeb: {  	v18 =	vld [tilespmem:s25+$0x3E20];
	(pc) =	sbr.rel @p0 .LBB2_7-.Ltmp2, $4  }
0xec: {  	v17 =	vld [tilespmem:s25+$0x3E30]  }
0xed: {  	v16 =	vld [tilespmem:s25+$0x3E40]  }
0xee: {  	v20 =	vadd.f32 v14, v15;
	v15 =	vld [tilespmem:s25+$0x3E50]  }
0xef: {  	s10 =	sadd.s32 $0x200, s10;
	v19 =	vadd.f32 v19, v21;
	v14 =	vld [tilespmem:s25+$0x3E60]  }
0xf0: {  	v6 =	vadd.f32 v6, v20;
	v13 =	vadd.f32 v13, v18;
	v56 =	vld [tilespmem:s25+$0x3E70]  }
0xf1: {  	v57 =	vld [tilespmem:s25+$0x6660];
	v7 =	vadd.f32 v7, v19;
	v12 =	vadd.f32 v12, v17  }
0xf2: {  	v58 =	vld [tilespmem:s25+$0x6670];
	v6 =	vmax.f32 v6, $0.0e+00;
	v5 =	vadd.f32 v5, v13;
	v11 =	vadd.f32 v11, v16  }
0xf3: {  	[tilespmem:s25+$0x3E00] =	vst v6;
	v59 =	vmax.f32 v7, $0.0e+00;
	v4 =	vadd.f32 v4, v12;
	v60 =	vadd.f32 v10, v15  }
0xf4: {  	[tilespmem:s25+$0x3E10] =	vst v59;
	v5 =	vmax.f32 v5, $0.0e+00;
	v3 =	vadd.f32 v3, v11;
	v61 =	vadd.f32 v9, v14  }
0xf5: {  	[tilespmem:s25+$0x3E20] =	vst v5;
	v4 =	vmax.f32 v4, $0.0e+00;
	v2 =	vadd.f32 v2, v60;
	v62 =	vadd.f32 v8, v56  }
0xf6: {  	[tilespmem:s25+$0x3E30] =	vst v4;
	v3 =	vmax.f32 v3, $0.0e+00;
	v63 =	vadd.f32 v57, v61  }
0xf7: {  	[tilespmem:s25+$0x3E40] =	vst v3;
	v2 =	vmax.f32 v2, $0.0e+00;
	v3 =	vadd.f32 v58, v62  }
0xf8: {  	[tilespmem:s25+$0x3E50] =	vst v2;
	v2 =	vmax.f32 v63, $0.0e+00  }
0xf9: {  	[tilespmem:s25+$0x3E60] =	vst v2;
	v2 =	vmax.f32 v3, $0.0e+00  }
0xfa: {  	[tilespmem:s25+$0x3E70] =	vst v2  }
0xfb: {  	v2 =	vld [tilespmem:$0x3D80];
	_ =	sdelay $0x7  }
0xfc: {  	[tilespmem:v2+s18+$0x0] =	vst.idx.add.f32.msk $0xffff, v1  }
0xfd: {  	v2 =	vld [tilespmem:$0x3D90];
	_ =	sdelay $0x7  }
0xfe: {  	[tilespmem:v2+s18+$0x0] =	vst.idx.add.f32.msk $0xffff, v1  }
0xff: {  	v2 =	vld [tilespmem:$0x3D98];
	_ =	sdelay $0x5  }
0x100: {  	s24 =	sadd.s32 $0x1, s24  }
0x101: {  	p0 =	sne.s32 s24, $0x7D  }
.Ltmp3:
0x102: {  	[tilespmem:v2+s18+$0x0] =	vst.idx.add.f32.msk vm0, v1;
	(pc) =	sbr.rel @p0 .LBB2_4-.Ltmp3, $4  }
0x103: {  	[spmem:s3] =	stream.indirect.scatter.add.f32 [tilespmem:s12], [sflag:$0x7], $0x80, s2, s30, $0xb8;
	[tilespmem:$0x1E200] =	vst v63  }
0x104: {  	_ =	swait.ge [sflag:s28], $0x1400  }
0x105: {  	[sflag:s28] =	ssyncset.done $0x0  }
0x106: {  	[sflag:s28] =	ssyncadd.s32 $0xFFFFEC00  }
0x107: {  	[bflag:$0x0] =	sbarrier.arrive $0xFFFF  }
0x108: {  	s22 =	rddreg [dreg:$0x5]  }
0x109: {  	[tilespmem:s31], [sflag:$0x7] =	stream.linear.gather [spmem:s22], $0x1400, $0x38;
	[tilespmem:$0x1E200] =	vst v63  }
0x10a: {  	_ =	swait.ge [sflag:s28], $0x1400  }
0x10b: {  	[sflag:s28] =	ssyncset.done $0x0  }
0x10c: {  	s4 =	simm.s32 $0x0;
	s10 =	rddreg [dreg:$0xa];
	[sflag:s28] =	ssyncadd.s32 $0xFFFFEC00  }
0x10d: {  	[hbm4b:s10+s4] =	stream.linear.scatter [tilespmem:s31], [sflag:$0x7], $0x1400, $0x38;
	[tilespmem:$0x1E200] =	vst v63  }
0x10e: {  	_ =	swait.ge [sflag:s28], $0x1400  }
0x10f: {  	[sflag:s28] =	ssyncset.done $0x0  }
0x110: {  	s26 =	rddreg [dreg:$0x1c];
	[sflag:s28] =	ssyncadd.s32 $0xFFFFEC00  }
0x111: {  	[tilespmem:s31], [sflag:$0x7] =	stream.linear.gather [spmem:s26], $0x1400, $0x38;
	[tilespmem:$0x1E200] =	vst v63  }
0x112: {  	_ =	swait.ge [sflag:s28], $0x1400  }
0x113: {  	[sflag:s28] =	ssyncset.done $0x0  }
0x114: {  	s23 =	rddreg [dreg:$0xb];
	[sflag:s28] =	ssyncadd.s32 $0xFFFFEC00  }
0x115: {  	[hbm4b:s23+s4] =	stream.linear.scatter [tilespmem:s31], [sflag:$0x7], $0x1400, $0x38;
	[tilespmem:$0x1E200] =	vst v63  }
0x116: {  	_ =	swait.ge [sflag:s28], $0x1400  }
0x117: {  	[sflag:s28] =	ssyncset.done $0x0  }
0x118: {  	s24 =	rddreg [dreg:$0x1d];
	[sflag:s28] =	ssyncadd.s32 $0xFFFFEC00  }
0x119: {  	[tilespmem:s31], [sflag:$0x7] =	stream.linear.gather [spmem:s24], $0x1400, $0x38;
	[tilespmem:$0x1E200] =	vst v63  }
0x11a: {  	_ =	swait.ge [sflag:s28], $0x1400  }
0x11b: {  	[sflag:s28] =	ssyncset.done $0x0  }
0x11c: {  	s25 =	rddreg [dreg:$0xc];
	[sflag:s28] =	ssyncadd.s32 $0xFFFFEC00  }
0x11d: {  	[hbm4b:s25+s4] =	stream.linear.scatter [tilespmem:s31], [sflag:$0x7], $0x1400, $0x38;
	[tilespmem:$0x1E200] =	vst v63  }
0x11e: {  	_ =	swait.ge [sflag:s28], $0x1400  }
0x11f: {  	[sflag:s28] =	ssyncset.done $0x0  }
0x120: {  	s26 =	rddreg [dreg:$0x1e];
	[sflag:s28] =	ssyncadd.s32 $0xFFFFEC00  }
0x121: {  	[tilespmem:s31], [sflag:$0x7] =	stream.linear.gather [spmem:s26], $0x1400, $0x38;
	[tilespmem:$0x1E200] =	vst v63  }
0x122: {  	_ =	swait.ge [sflag:s28], $0x1400  }
0x123: {  	[sflag:s28] =	ssyncset.done $0x0  }
0x124: {  	s23 =	rddreg [dreg:$0xd];
	[sflag:s28] =	ssyncadd.s32 $0xFFFFEC00  }
0x125: {  	[hbm4b:s23+s4] =	stream.linear.scatter [tilespmem:s31], [sflag:$0x7], $0x1400, $0x38;
	[tilespmem:$0x1E200] =	vst v63  }
0x126: {  	_ =	swait.ge [sflag:s28], $0x1400  }
0x127: {  	[sflag:s28] =	ssyncset.done $0x0  }
0x128: {  	s24 =	rddreg [dreg:$0x1f];
	[sflag:s28] =	ssyncadd.s32 $0xFFFFEC00  }
0x129: {  	[tilespmem:s31], [sflag:$0x7] =	stream.linear.gather [spmem:s24], $0x1400, $0x38;
	[tilespmem:$0x1E200] =	vst v63  }
0x12a: {  	_ =	swait.ge [sflag:s28], $0x1400  }
0x12b: {  	[sflag:s28] =	ssyncset.done $0x0  }
0x12c: {  	s25 =	rddreg [dreg:$0xe];
	[sflag:s28] =	ssyncadd.s32 $0xFFFFEC00  }
0x12d: {  	[hbm4b:s25+s4] =	stream.linear.scatter [tilespmem:s31], [sflag:$0x7], $0x1400, $0x38;
	[tilespmem:$0x1E200] =	vst v63  }
0x12e: {  	_ =	swait.ge [sflag:s28], $0x1400  }
0x12f: {  	s26 =	sld [smem:$0x7F3]  }
0x130: {  	[sflag:s28] =	ssyncset.done $0x0  }
0x131: {  	[sflag:s28] =	ssyncadd.s32 $0xFFFFEC00  }
0x132: {  	[tilespmem:s31], [sflag:$0x7] =	stream.linear.gather [spmem:s26], $0x1400, $0x38;
	[tilespmem:$0x1E200] =	vst v63  }
0x133: {  	_ =	swait.ge [sflag:s28], $0x1400  }
0x134: {  	[sflag:s28] =	ssyncset.done $0x0  }
0x135: {  	s23 =	rddreg [dreg:$0xf];
	[sflag:s28] =	ssyncadd.s32 $0xFFFFEC00  }
0x136: {  	[hbm4b:s23+s4] =	stream.linear.scatter [tilespmem:s31], [sflag:$0x7], $0x1400, $0x38;
	[tilespmem:$0x1E200] =	vst v63  }
0x137: {  	_ =	swait.ge [sflag:s28], $0x1400  }
0x138: {  	s24 =	sld [smem:$0x7F4]  }
0x139: {  	[sflag:s28] =	ssyncset.done $0x0  }
0x13a: {  	[sflag:s28] =	ssyncadd.s32 $0xFFFFEC00  }
0x13b: {  	[tilespmem:s31], [sflag:$0x7] =	stream.linear.gather [spmem:s24], $0x1400, $0x38;
	[tilespmem:$0x1E200] =	vst v63  }
0x13c: {  	_ =	swait.ge [sflag:s28], $0x1400  }
0x13d: {  	[sflag:s28] =	ssyncset.done $0x0  }
0x13e: {  	s25 =	rddreg [dreg:$0x10];
	[sflag:s28] =	ssyncadd.s32 $0xFFFFEC00  }
0x13f: {  	[hbm4b:s25+s4] =	stream.linear.scatter [tilespmem:s31], [sflag:$0x7], $0x1400, $0x38;
	[tilespmem:$0x1E200] =	vst v63  }
0x140: {  	_ =	swait.ge [sflag:s28], $0x1400  }
0x141: {  	s26 =	sld [smem:$0x7F5]  }
0x142: {  	[sflag:s28] =	ssyncset.done $0x0  }
0x143: {  	[sflag:s28] =	ssyncadd.s32 $0xFFFFEC00  }
0x144: {  	[tilespmem:s31], [sflag:$0x7] =	stream.linear.gather [spmem:s26], $0x1400, $0x38;
	[tilespmem:$0x1E200] =	vst v63  }
0x145: {  	_ =	swait.ge [sflag:s28], $0x1400  }
0x146: {  	[sflag:s28] =	ssyncset.done $0x0  }
0x147: {  	s23 =	rddreg [dreg:$0x11];
	[sflag:s28] =	ssyncadd.s32 $0xFFFFEC00  }
0x148: {  	[hbm4b:s23+s4] =	stream.linear.scatter [tilespmem:s31], [sflag:$0x7], $0x1400, $0x38;
	[tilespmem:$0x1E200] =	vst v63  }
0x149: {  	_ =	swait.ge [sflag:s28], $0x1400  }
0x14a: {  	s24 =	sld [smem:$0x7F6]  }
0x14b: {  	[sflag:s28] =	ssyncset.done $0x0  }
0x14c: {  	[sflag:s28] =	ssyncadd.s32 $0xFFFFEC00  }
0x14d: {  	[tilespmem:s31], [sflag:$0x7] =	stream.linear.gather [spmem:s24], $0x1400, $0x38;
	[tilespmem:$0x1E200] =	vst v63  }
0x14e: {  	_ =	swait.ge [sflag:s28], $0x1400  }
0x14f: {  	[sflag:s28] =	ssyncset.done $0x0  }
0x150: {  	s25 =	rddreg [dreg:$0x12];
	[sflag:s28] =	ssyncadd.s32 $0xFFFFEC00  }
0x151: {  	[hbm4b:s25+s4] =	stream.linear.scatter [tilespmem:s31], [sflag:$0x7], $0x1400, $0x38;
	[tilespmem:$0x1E200] =	vst v63  }
0x152: {  	_ =	swait.ge [sflag:s28], $0x1400  }
0x153: {  	s26 =	sld [smem:$0x7F7]  }
0x154: {  	[sflag:s28] =	ssyncset.done $0x0  }
0x155: {  	[sflag:s28] =	ssyncadd.s32 $0xFFFFEC00  }
0x156: {  	[tilespmem:s31], [sflag:$0x7] =	stream.linear.gather [spmem:s26], $0x1400, $0x38;
	[tilespmem:$0x1E200] =	vst v63  }
0x157: {  	_ =	swait.ge [sflag:s28], $0x1400  }
0x158: {  	[sflag:s28] =	ssyncset.done $0x0  }
0x159: {  	s23 =	rddreg [dreg:$0x13];
	[sflag:s28] =	ssyncadd.s32 $0xFFFFEC00  }
0x15a: {  	[hbm4b:s23+s4] =	stream.linear.scatter [tilespmem:s31], [sflag:$0x7], $0x1400, $0x38;
	[tilespmem:$0x1E200] =	vst v63  }
0x15b: {  	_ =	swait.ge [sflag:s28], $0x1400  }
0x15c: {  	s24 =	sld [smem:$0x7F8]  }
0x15d: {  	[sflag:s28] =	ssyncset.done $0x0  }
0x15e: {  	[sflag:s28] =	ssyncadd.s32 $0xFFFFEC00  }
0x15f: {  	[tilespmem:s31], [sflag:$0x7] =	stream.linear.gather [spmem:s24], $0x1400, $0x38;
	[tilespmem:$0x1E200] =	vst v63  }
0x160: {  	_ =	swait.ge [sflag:s28], $0x1400  }
0x161: {  	[sflag:s28] =	ssyncset.done $0x0  }
0x162: {  	s25 =	rddreg [dreg:$0x14];
	[sflag:s28] =	ssyncadd.s32 $0xFFFFEC00  }
0x163: {  	[hbm4b:s25+s4] =	stream.linear.scatter [tilespmem:s31], [sflag:$0x7], $0x1400, $0x38;
	[tilespmem:$0x1E200] =	vst v63  }
0x164: {  	_ =	swait.ge [sflag:s28], $0x1400  }
0x165: {  	s26 =	sld [smem:$0x7F9]  }
0x166: {  	[sflag:s28] =	ssyncset.done $0x0  }
0x167: {  	[sflag:s28] =	ssyncadd.s32 $0xFFFFEC00  }
0x168: {  	[tilespmem:s31], [sflag:$0x7] =	stream.linear.gather [spmem:s26], $0x1400, $0x38;
	[tilespmem:$0x1E200] =	vst v63  }
0x169: {  	_ =	swait.ge [sflag:s28], $0x1400  }
0x16a: {  	[sflag:s28] =	ssyncset.done $0x0  }
0x16b: {  	s23 =	rddreg [dreg:$0x15];
	[sflag:s28] =	ssyncadd.s32 $0xFFFFEC00  }
0x16c: {  	[hbm4b:s23+s4] =	stream.linear.scatter [tilespmem:s31], [sflag:$0x7], $0x1400, $0x38;
	[tilespmem:$0x1E200] =	vst v63  }
0x16d: {  	_ =	swait.ge [sflag:s28], $0x1400  }
0x16e: {  	s24 =	sld [smem:$0x7FA]  }
0x16f: {  	[sflag:s28] =	ssyncset.done $0x0  }
0x170: {  	[sflag:s28] =	ssyncadd.s32 $0xFFFFEC00  }
0x171: {  	[tilespmem:s31], [sflag:$0x7] =	stream.linear.gather [spmem:s24], $0x1400, $0x38;
	[tilespmem:$0x1E200] =	vst v63  }
0x172: {  	_ =	swait.ge [sflag:s28], $0x1400  }
0x173: {  	[sflag:s28] =	ssyncset.done $0x0  }
0x174: {  	s25 =	rddreg [dreg:$0x16];
	[sflag:s28] =	ssyncadd.s32 $0xFFFFEC00  }
0x175: {  	[hbm4b:s25+s4] =	stream.linear.scatter [tilespmem:s31], [sflag:$0x7], $0x1400, $0x38;
	[tilespmem:$0x1E200] =	vst v63  }
0x176: {  	_ =	swait.ge [sflag:s28], $0x1400  }
0x177: {  	s26 =	sld [smem:$0x7FB]  }
0x178: {  	[sflag:s28] =	ssyncset.done $0x0  }
0x179: {  	[sflag:s28] =	ssyncadd.s32 $0xFFFFEC00  }
0x17a: {  	[tilespmem:s31], [sflag:$0x7] =	stream.linear.gather [spmem:s26], $0x1400, $0x38;
	[tilespmem:$0x1E200] =	vst v63  }
0x17b: {  	_ =	swait.ge [sflag:s28], $0x1400  }
0x17c: {  	[sflag:s28] =	ssyncset.done $0x0  }
0x17d: {  	s23 =	rddreg [dreg:$0x17];
	[sflag:s28] =	ssyncadd.s32 $0xFFFFEC00  }
0x17e: {  	[hbm4b:s23+s4] =	stream.linear.scatter [tilespmem:s31], [sflag:$0x7], $0x1400, $0x38;
	[tilespmem:$0x1E200] =	vst v63  }
0x17f: {  	_ =	swait.ge [sflag:s28], $0x1400  }
0x180: {  	s24 =	sld [smem:$0x7FC]  }
0x181: {  	[sflag:s28] =	ssyncset.done $0x0  }
0x182: {  	[sflag:s28] =	ssyncadd.s32 $0xFFFFEC00  }
0x183: {  	[tilespmem:s31], [sflag:$0x7] =	stream.linear.gather [spmem:s24], $0x1400, $0x38;
	[tilespmem:$0x1E200] =	vst v63  }
0x184: {  	_ =	swait.ge [sflag:s28], $0x1400  }
0x185: {  	[sflag:s28] =	ssyncset.done $0x0  }
0x186: {  	s25 =	rddreg [dreg:$0x18];
	[sflag:s28] =	ssyncadd.s32 $0xFFFFEC00  }
0x187: {  	[hbm4b:s25+s4] =	stream.linear.scatter [tilespmem:s31], [sflag:$0x7], $0x1400, $0x38;
	[tilespmem:$0x1E200] =	vst v63  }
0x188: {  	_ =	swait.ge [sflag:s28], $0x1400  }
0x189: {  	s26 =	sld [smem:$0x7FD]  }
0x18a: {  	[sflag:s28] =	ssyncset.done $0x0  }
0x18b: {  	[sflag:s28] =	ssyncadd.s32 $0xFFFFEC00  }
0x18c: {  	[tilespmem:s31], [sflag:$0x7] =	stream.linear.gather [spmem:s26], $0x1400, $0x38;
	[tilespmem:$0x1E200] =	vst v63  }
0x18d: {  	_ =	swait.ge [sflag:s28], $0x1400  }
0x18e: {  	[sflag:s28] =	ssyncset.done $0x0  }
0x18f: {  	s23 =	rddreg [dreg:$0x19];
	[sflag:s28] =	ssyncadd.s32 $0xFFFFEC00  }
0x190: {  	[hbm4b:s23+s4] =	stream.linear.scatter [tilespmem:s31], [sflag:$0x7], $0x1400, $0x38;
	[tilespmem:$0x1E200] =	vst v63  }
0x191: {  	_ =	swait.ge [sflag:s28], $0x1400  }
0x192: {  	[sflag:s28] =	ssyncset.done $0x0  }
0x193: {  	s24 =	rddreg [dreg:$0x1a];
	[sflag:s28] =	ssyncadd.s32 $0xFFFFEC00  }
0x194: {  	[hbm4b:s24+s4] =	stream.linear.scatter [tilespmem:s18], [sflag:$0x7], $0x2800, $0x38;
	[tilespmem:$0x1E200] =	vst v63  }
0x195: {  	_ =	swait.ge [sflag:s28], $0x2800  }
0x196: {  	s25 =	sld [smem:$0x7F2];
	_ =	sdelay $0x2  }
0x197: {  	s26 =	rddreg [dreg:$0x1b];
	s10 =	sadd.s32 $0x1, s25  }
0x198: {  	p0 =	sne.s32 s10, s26  }
.Ltmp4:
0x199: {  	_ = 	snop;
	(pc) =	sbr.rel @p0 .LBB2_1-.Ltmp4, $3  }
0x19a: {  	_ =	sdelay $0x1  }
0x19b: {  	[sflag:s28] =	ssyncset.done $0x0  }
0x19c: {  	[sflag:s28] =	ssyncadd.s32 $0xFFFFD800  }
0x19d: {  	_ =	sfence.sel $0x180000  }
0x19e: {  	[bflag:$0x0] =	sbarrier.arrive $0xFFFF  }
0x19f: {  	_ =	strace $0x90000047  }
0x1a0: {  	s0 =	stileid.u32;
	[bflag:$0x2] =	sbarrier.arrive $0xFFFF  }
0x1a1: {  	p0 =	sne.s32 s0, $0x0;
	s0 =	rddreg [dreg:$0x3]  }
0x1a2: {  	s0 =	sadd.s32 @!p0 $0x100000, s0  }
0x1a3: {  	[sflag:s0] =	ssyncadd.tile.s32 @!p0 $0x1;
	_ =	shalt  }
.Lfunc_end2:
_tile_overlayer_lowered:
.L_overlay_start_2:
0x1a4: {  	(tag) =	ssettag $0x2  }
0x1a5: {  	s0 =	rddreg [dreg:$0x0];
	s2 =	stileid.u32  }
0x1a6: {  	s1 =	rddreg [dreg:$0x1];
	p0 =	sne.s32 s2, $0x0  }
0x1a7: {  	s3 =	rddreg [dreg:$0x2];
	[bflag:$0x3] =	sbarrier.arrive $0xFFFF;
	s2 =	simm.s32 @!p0 $0x1C07  }
0x1a8: {  	[timem:s3], [sflag:s2] =	dma.local @!p0 [hbm:s0], s1  }
0x1a9: {  	s0 =	simm.s32 @!p0 $0x7  }
0x1aa: {  	_ =	swait.ge @!p0 [sflag:s0], s1  }
0x1ab: {  	s1 =	ssub.s32 @!p0 $0x0, s1;
	[sflag:s0] =	ssyncset.done @!p0 $0x0  }
0x1ac: {  	[sflag:s0] =	ssyncadd.s32 @!p0 s1  }
0x1ad: {  	[bflag:$0x3] =	sbarrier.arrive $0xFFFF  }
0x1ae: {  	_ =	shalt  }

</sc_bundles>
